<compile_context>
chip_gen: v7x
topology: tpu7x:2x2x1
jax: 0.10.2.dev20260603
libtpu: 0.0.44.dev20260713+nightly
codegen_flags: <defaults>
</compile_context>

<pallas_src>
import functools

import jax
import jax.numpy as jnp
from jax import lax
from jax.experimental import pallas as pl
from jax.experimental.pallas import tpu as pltpu
from jax.experimental.pallas import tpu_sc as plsc

FIG = 300.0
N = 5000
D = 8732
DP = 9216
DS = 8832
NPAD = 5120
CB = 200
NSTEP = N // CB
NW = 32
DBW = DP // NW
SPLITS = [5776, 7942, 8542, 8692, 8728]


def _tc_body(bb_ref, bbt_ref, dbt_ref,
             matched_ref, ldw_ref, ldh_ref,
             bcx_ref, bcy_ref, blw_ref, blh_ref,
             maxd_s, argd_s, ovr_s):
    k = pl.program_id(0)

    @pl.when(k == 0)
    def _init():
        maxd_s[...] = jnp.full((1, DS), -1.0, jnp.float32)
        argd_s[...] = jnp.zeros((1, DS), jnp.int32)
        ovr_s[...] = jnp.full((1, DS), -1, jnp.int32)
        bx0 = bbt_ref[0:1, :]
        by0 = bbt_ref[1:2, :]
        bx1 = bbt_ref[2:3, :]
        by1 = bbt_ref[3:4, :]
        bcx_ref[...] = ((bx0 + bx1) / 2 / FIG).reshape(NPAD)
        bcy_ref[...] = ((by0 + by1) / 2 / FIG).reshape(NPAD)
        blw_ref[...] = jnp.log((bx1 - bx0) / FIG).reshape(NPAD)
        blh_ref[...] = jnp.log((by1 - by0) / FIG).reshape(NPAD)

    dcx = dbt_ref[0:1, :DS]
    dcy = dbt_ref[1:2, :DS]
    dw = dbt_ref[2:3, :DS]
    dh = dbt_ref[3:4, :DS]
    dxmin = (dcx - dw / 2) * FIG
    dymin = (dcy - dh / 2) * FIG
    dxmax = (dcx + dw / 2) * FIG
    dymax = (dcy + dh / 2) * FIG
    area2 = (dxmax - dxmin) * (dymax - dymin)

    x0 = bb_ref[:, 0:1]
    y0 = bb_ref[:, 1:2]
    x1 = bb_ref[:, 2:3]
    y1 = bb_ref[:, 3:4]
    area1 = (x1 - x0) * (y1 - y0)

    iw = jnp.clip(jnp.minimum(x1, dxmax) - jnp.maximum(x0, dxmin), 0.0, None)
    ih = jnp.clip(jnp.minimum(y1, dymax) - jnp.maximum(y0, dymin), 0.0, None)
    inter = iw * ih
    union = area1 + area2 - inter
    iou = inter / union

    ri = lax.broadcasted_iota(jnp.int32, (CB, 1), 0)
    li = lax.broadcasted_iota(jnp.int32, (1, DS), 1)

    m = jnp.max(iou, axis=0, keepdims=True)
    a = jnp.argmax(iou, axis=0).astype(jnp.int32).reshape(1, DS) + k * CB
    upd = m > maxd_s[...]
    maxd_s[...] = jnp.where(upd, m, maxd_s[...])
    argd_s[...] = jnp.where(upd, a, argd_s[...])

    rmax = jnp.max(iou, axis=1, keepdims=True)
    rarg = jnp.min(jnp.where(iou == rmax, li, DS), axis=1, keepdims=True)

    gi_valid = jnp.where(rmax > 0.0, ri + k * CB, -1)
    ival = jnp.where(li == rarg, gi_valid, -1)
    ovr_s[...] = jnp.maximum(ovr_s[...], jnp.max(ival, axis=0, keepdims=True))

    @pl.when(k == NSTEP - 1)
    def _fin():
        base = jnp.where(maxd_s[...] >= 0.5, argd_s[...], -1)
        ov = ovr_s[...]
        matched_ref[pl.ds(0, DS)] = jnp.where(ov >= 0, ov, base).reshape(DS)
        matched_ref[pl.ds(DS, DP - DS)] = jnp.full((DP - DS,), -1, jnp.int32)
        ldw_ref[...] = jnp.log(dbt_ref[2:3, :]).reshape(DP)
        ldh_ref[...] = jnp.log(dbt_ref[3:4, :]).reshape(DP)


def _make_tc(interpret=False):
    return pl.pallas_call(
        _tc_body,
        grid=(NSTEP,),
        in_specs=[
            pl.BlockSpec((CB, 4), lambda k: (k, 0)),
            pl.BlockSpec((4, NPAD), lambda k: (0, 0)),
            pl.BlockSpec((4, DP), lambda k: (0, 0)),
        ],
        out_specs=[
            pl.BlockSpec((DP,), lambda k: (0,)),
            pl.BlockSpec((DP,), lambda k: (0,)),
            pl.BlockSpec((DP,), lambda k: (0,)),
            pl.BlockSpec((NPAD,), lambda k: (0,)),
            pl.BlockSpec((NPAD,), lambda k: (0,)),
            pl.BlockSpec((NPAD,), lambda k: (0,)),
            pl.BlockSpec((NPAD,), lambda k: (0,)),
        ],
        out_shape=[
            jax.ShapeDtypeStruct((DP,), jnp.int32),
            jax.ShapeDtypeStruct((DP,), jnp.float32),
            jax.ShapeDtypeStruct((DP,), jnp.float32),
            jax.ShapeDtypeStruct((NPAD,), jnp.float32),
            jax.ShapeDtypeStruct((NPAD,), jnp.float32),
            jax.ShapeDtypeStruct((NPAD,), jnp.float32),
            jax.ShapeDtypeStruct((NPAD,), jnp.float32),
        ],
        scratch_shapes=[
            pltpu.VMEM((1, DS), jnp.float32),
            pltpu.VMEM((1, DS), jnp.int32),
            pltpu.VMEM((1, DS), jnp.int32),
        ],
        interpret=interpret,
    )


def _sc_body(bcx_h, bcy_h, blw_h, blh_h, lab_h,
             mt_h, dcx_h, dcy_h, dw_h, dh_h, ldw_h, ldh_h,
             o0_h, o1_h, o2_h, o3_h, lo_h,
             bcx_v, bcy_v, blw_v, blh_v, lab_v,
             mt_v, dcx_v, dcy_v, dw_v, dh_v, ldw_v, ldh_v,
             s0_v, s1_v, s2_v, s3_v, sl_v):
    c = lax.axis_index("c")
    s = lax.axis_index("s")
    wid = s * 2 + c
    base = wid * DBW

    pltpu.sync_copy(bcx_h, bcx_v)
    pltpu.sync_copy(bcy_h, bcy_v)
    pltpu.sync_copy(blw_h, blw_v)
    pltpu.sync_copy(blh_h, blh_v)
    pltpu.sync_copy(lab_h, lab_v)
    pltpu.sync_copy(mt_h.at[pl.ds(base, DBW)], mt_v)
    pltpu.sync_copy(dcx_h.at[pl.ds(base, DBW)], dcx_v)
    pltpu.sync_copy(dcy_h.at[pl.ds(base, DBW)], dcy_v)
    pltpu.sync_copy(dw_h.at[pl.ds(base, DBW)], dw_v)
    pltpu.sync_copy(dh_h.at[pl.ds(base, DBW)], dh_v)
    pltpu.sync_copy(ldw_h.at[pl.ds(base, DBW)], ldw_v)
    pltpu.sync_copy(ldh_h.at[pl.ds(base, DBW)], ldh_v)

    zf = jnp.zeros((16,), jnp.float32)
    zi = jnp.zeros((16,), jnp.int32)
    for j in range(DBW // 16):
        sl = pl.ds(j * 16, 16)
        m = mt_v[sl]
        gi = jnp.maximum(m, 0)
        g0 = plsc.load_gather(bcx_v, [gi])
        g1 = plsc.load_gather(bcy_v, [gi])
        g2 = plsc.load_gather(blw_v, [gi])
        g3 = plsc.load_gather(blh_v, [gi])
        lb = plsc.load_gather(lab_v, [gi])
        fg = m >= 0
        s0_v[sl] = jnp.where(fg, (g0 - dcx_v[sl]) / dw_v[sl], zf)
        s1_v[sl] = jnp.where(fg, (g1 - dcy_v[sl]) / dh_v[sl], zf)
        s2_v[sl] = jnp.where(fg, g2 - ldw_v[sl], zf)
        s3_v[sl] = jnp.where(fg, g3 - ldh_v[sl], zf)
        sl_v[sl] = jnp.where(fg, lb, zi)

    pltpu.sync_copy(s0_v, o0_h.at[pl.ds(base, DBW)])
    pltpu.sync_copy(s1_v, o1_h.at[pl.ds(base, DBW)])
    pltpu.sync_copy(s2_v, o2_h.at[pl.ds(base, DBW)])
    pltpu.sync_copy(s3_v, o3_h.at[pl.ds(base, DBW)])
    pltpu.sync_copy(sl_v, lo_h.at[pl.ds(base, DBW)])


def _make_sc():
    mesh = plsc.VectorSubcoreMesh(core_axis_name="c", subcore_axis_name="s")
    return functools.partial(
        pl.kernel,
        mesh=mesh,
        compiler_params=pltpu.CompilerParams(needs_layout_passes=False),
        out_type=[
            jax.ShapeDtypeStruct((DP,), jnp.float32),
            jax.ShapeDtypeStruct((DP,), jnp.float32),
            jax.ShapeDtypeStruct((DP,), jnp.float32),
            jax.ShapeDtypeStruct((DP,), jnp.float32),
            jax.ShapeDtypeStruct((DP,), jnp.int32),
        ],
        scratch_types=[
            pltpu.VMEM((NPAD,), jnp.float32),
            pltpu.VMEM((NPAD,), jnp.float32),
            pltpu.VMEM((NPAD,), jnp.float32),
            pltpu.VMEM((NPAD,), jnp.float32),
            pltpu.VMEM((NPAD,), jnp.int32),
            pltpu.VMEM((DBW,), jnp.int32),
            pltpu.VMEM((DBW,), jnp.float32),
            pltpu.VMEM((DBW,), jnp.float32),
            pltpu.VMEM((DBW,), jnp.float32),
            pltpu.VMEM((DBW,), jnp.float32),
            pltpu.VMEM((DBW,), jnp.float32),
            pltpu.VMEM((DBW,), jnp.float32),
            pltpu.VMEM((DBW,), jnp.float32),
            pltpu.VMEM((DBW,), jnp.float32),
            pltpu.VMEM((DBW,), jnp.float32),
            pltpu.VMEM((DBW,), jnp.float32),
            pltpu.VMEM((DBW,), jnp.int32),
        ],
    )(_sc_body)


def kernel(img, bboxes, labels, dboxes):
    del img
    f32 = jnp.float32
    bpad = jnp.tile(jnp.array([[0.0], [0.0], [FIG], [FIG]], f32), (1, NPAD - N))
    bbt = jnp.concatenate([bboxes.T, bpad], axis=1)
    dpad = jnp.tile(jnp.array([[0.0], [0.0], [-10.0], [10.0]], f32), (1, DP - D))
    dbt = jnp.concatenate([dboxes.T, dpad], axis=1)
    labp = jnp.concatenate([labels, jnp.zeros((NPAD - N,), jnp.int32)])

    matched1, ldw1, ldh1, bcx1, bcy1, blw1, blh1 = _make_tc()(bboxes, bbt, dbt)

    o0, o1, o2, o3, lo = _make_sc()(
        bcx1, bcy1, blw1, blh1, labp, matched1,
        dbt[0], dbt[1], dbt[2], dbt[3], ldw1, ldh1)

    offsets = jnp.stack([o0[:D], o1[:D], o2[:D], o3[:D]], axis=1)
    new_labels = lo[:D]
    split_offsets = tuple(jnp.split(offsets, SPLITS, axis=0))
    split_labels = tuple(jnp.split(new_labels, SPLITS, axis=0))
    return (split_offsets, split_labels)

# --- scband reference (transcript-rebuilt; emitter-appended) ---
"""Pipeline reference for scband-generate-ground-truth-23570780521153 (READ-ONLY COPY).

The authoritative reference and input builder live on the scoring server;
editing this copy changes nothing except your own understanding.
"""

import jax, jax.numpy as jnp
import numpy as np
import math, itertools

FIG_SIZE = 300
FEAT_SIZES = [38, 19, 10, 5, 3, 1]
STEPS = [8, 16, 32, 64, 100, 300]
SCALES = [21, 45, 99, 153, 207, 261, 315]
ASPECT_RATIOS = [[2], [2, 3], [2, 3], [2, 3], [2], [2]]
N_DBOX_PER_MAP = [5776, 2166, 600, 150, 36, 4]  # 4,6,6,6,4,4 boxes/pixel * feat^2 -> total 8732
N_DBOXES = 8732


def _generate_dboxes():
    boxes = []
    for idx, sfeat in enumerate(FEAT_SIZES):
        sk1 = SCALES[idx] / FIG_SIZE
        sk2 = SCALES[idx + 1] / FIG_SIZE
        sk3 = math.sqrt(sk1 * sk2)
        all_sizes = [(sk1, sk1), (sk3, sk3)]
        for alpha in ASPECT_RATIOS[idx]:
            w, h = sk1 * math.sqrt(alpha), sk1 / math.sqrt(alpha)
            all_sizes.append((w, h))
            all_sizes.append((h, w))
        for i, j in itertools.product(range(sfeat), repeat=2):
            for w, h in all_sizes:
                cx = (j + 0.5) * STEPS[idx] / FIG_SIZE
                cy = (i + 0.5) * STEPS[idx] / FIG_SIZE
                boxes.append((cx, cy, w, h))
    return np.clip(np.asarray(boxes, dtype=np.float32), 0.0, 1.0)


def _cwh_to_xyxy_denorm(d):
    xmin = (d[:, 0] - d[:, 2] / 2) * FIG_SIZE
    ymin = (d[:, 1] - d[:, 3] / 2) * FIG_SIZE
    xmax = (d[:, 0] + d[:, 2] / 2) * FIG_SIZE
    ymax = (d[:, 1] + d[:, 3] / 2) * FIG_SIZE
    return jnp.stack([xmin, ymin, xmax, ymax], axis=1)


def _xyxy_to_cwh_norm(b):
    cx = (b[:, 0] + b[:, 2]) / 2 / FIG_SIZE
    cy = (b[:, 1] + b[:, 3]) / 2 / FIG_SIZE
    w = (b[:, 2] - b[:, 0]) / FIG_SIZE
    h = (b[:, 3] - b[:, 1]) / FIG_SIZE
    return jnp.stack([cx, cy, w, h], axis=1)


def _jaccard(bboxes, dboxes_xyxy):
    xmin1 = bboxes[:, 0:1]; ymin1 = bboxes[:, 1:2]; xmax1 = bboxes[:, 2:3]; ymax1 = bboxes[:, 3:4]
    xmin2 = dboxes_xyxy[:, 0]; ymin2 = dboxes_xyxy[:, 1]; xmax2 = dboxes_xyxy[:, 2]; ymax2 = dboxes_xyxy[:, 3]
    inter_w = jnp.clip(jnp.minimum(xmax1, xmax2) - jnp.maximum(xmin1, xmin2), 0.0, None)
    inter_h = jnp.clip(jnp.minimum(ymax1, ymax2) - jnp.maximum(ymin1, ymin2), 0.0, None)
    inter = inter_w * inter_h
    union = (xmax1 - xmin1) * (ymax1 - ymin1) + (xmax2 - xmin2) * (ymax2 - ymin2) - inter
    return inter / union


def setup_inputs(seed: int = 0):
    key = jax.random.key(seed)
    k1, k2, k3 = jax.random.split(key, 3)
    N = 5000
    img = jax.random.normal(k1, (3, 300, 300), dtype=jnp.float32)
    u = jax.random.uniform(k2, (N, 4), dtype=jnp.float32)
    cx = 0.1 + 0.8 * u[:, 0]
    cy = 0.1 + 0.8 * u[:, 1]
    w = 0.05 + 0.25 * u[:, 2]
    h = 0.05 + 0.25 * u[:, 3]
    xmin = jnp.clip((cx - w / 2) * FIG_SIZE, 0.0, FIG_SIZE - 1.0)
    ymin = jnp.clip((cy - h / 2) * FIG_SIZE, 0.0, FIG_SIZE - 1.0)
    xmax = jnp.clip((cx + w / 2) * FIG_SIZE, xmin + 1.0, float(FIG_SIZE))
    ymax = jnp.clip((cy + h / 2) * FIG_SIZE, ymin + 1.0, float(FIG_SIZE))
    bboxes = jnp.stack([xmin, ymin, xmax, ymax], axis=1)
    labels = jax.random.randint(k3, (N,), 1, 81, dtype=jnp.int32)
    dboxes = jnp.asarray(_generate_dboxes())
    return {"img": img, "bboxes": bboxes, "labels": labels, "dboxes": dboxes}


def reference(img, bboxes, labels, dboxes):
    N = bboxes.shape[0]
    dboxes_xyxy = _cwh_to_xyxy_denorm(dboxes)
    bboxes_cwh = _xyxy_to_cwh_norm(bboxes)
    overlaps = _jaccard(bboxes, dboxes_xyxy)  # (N, 8732)

    # match labels
    max_per_dbox = jnp.max(overlaps, axis=0)
    arg_per_dbox = jnp.argmax(overlaps, axis=0).astype(jnp.int32)
    matched = jnp.where(max_per_dbox >= 0.5, arg_per_dbox, -1)
    max_per_lab = jnp.max(overlaps, axis=1)
    arg_per_lab = jnp.argmax(overlaps, axis=1).astype(jnp.int32)
    mask1 = max_per_lab > 0
    safe_idx = jnp.where(mask1, arg_per_lab, N_DBOXES)  # OOB -> dropped
    matched = matched.at[safe_idx].set(jnp.arange(N, dtype=jnp.int32), mode='drop')

    # offsets
    not_bg = matched != -1
    gidx = jnp.where(not_bg, matched, 0)
    g = bboxes_cwh[gidx]
    d = dboxes
    off = jnp.stack([
        (g[:, 0] - d[:, 0]) / d[:, 2],
        (g[:, 1] - d[:, 1]) / d[:, 3],
        jnp.log(g[:, 2] / d[:, 2]),
        jnp.log(g[:, 3] / d[:, 3]),
    ], axis=1)
    offsets = jnp.where(not_bg[:, None], off, 0.0)

    new_labels = jnp.where(not_bg, labels[gidx], 0)

    secs = np.cumsum(N_DBOX_PER_MAP)[:-1].tolist()
    split_offsets = tuple(jnp.split(offsets, secs, axis=0))
    split_labels = tuple(jnp.split(new_labels, secs, axis=0))
    return (split_offsets, split_labels)

if __name__ == "__main__":
    import jax
    _d = setup_inputs()
    print(jax.jit(kernel)(*tuple(_d.values())))

</pallas_src>

<mosaic_0001>
#map = affine_map<(d0, d1) -> (0)>
module attributes {stable_mosaic.version = 14 : i64} {
  func.func @_sc_body(%arg0: i32, %arg1: i32, %arg2: memref<5120xf32, #tpu.memory_space<hbm>>, %arg3: memref<5120xf32, #tpu.memory_space<hbm>>, %arg4: memref<5120xf32, #tpu.memory_space<hbm>>, %arg5: memref<5120xf32, #tpu.memory_space<hbm>>, %arg6: memref<5120xi32, #tpu.memory_space<hbm>>, %arg7: memref<9216xi32, #tpu.memory_space<hbm>>, %arg8: memref<9216xf32, #tpu.memory_space<hbm>>, %arg9: memref<9216xf32, #tpu.memory_space<hbm>>, %arg10: memref<9216xf32, #tpu.memory_space<hbm>>, %arg11: memref<9216xf32, #tpu.memory_space<hbm>>, %arg12: memref<9216xf32, #tpu.memory_space<hbm>>, %arg13: memref<9216xf32, #tpu.memory_space<hbm>>, %arg14: memref<9216xf32, #tpu.memory_space<hbm>>, %arg15: memref<9216xf32, #tpu.memory_space<hbm>>, %arg16: memref<9216xf32, #tpu.memory_space<hbm>>, %arg17: memref<9216xf32, #tpu.memory_space<hbm>>, %arg18: memref<9216xi32, #tpu.memory_space<hbm>>, %arg19: memref<5120xf32, #tpu.memory_space<vmem>>, %arg20: memref<5120xf32, #tpu.memory_space<vmem>>, %arg21: memref<5120xf32, #tpu.memory_space<vmem>>, %arg22: memref<5120xf32, #tpu.memory_space<vmem>>, %arg23: memref<5120xi32, #tpu.memory_space<vmem>>, %arg24: memref<288xi32, #tpu.memory_space<vmem>>, %arg25: memref<288xf32, #tpu.memory_space<vmem>>, %arg26: memref<288xf32, #tpu.memory_space<vmem>>, %arg27: memref<288xf32, #tpu.memory_space<vmem>>, %arg28: memref<288xf32, #tpu.memory_space<vmem>>, %arg29: memref<288xf32, #tpu.memory_space<vmem>>, %arg30: memref<288xf32, #tpu.memory_space<vmem>>, %arg31: memref<288xf32, #tpu.memory_space<vmem>>, %arg32: memref<288xf32, #tpu.memory_space<vmem>>, %arg33: memref<288xf32, #tpu.memory_space<vmem>>, %arg34: memref<288xf32, #tpu.memory_space<vmem>>, %arg35: memref<288xi32, #tpu.memory_space<vmem>>) attributes {dimension_semantics = [#tpu.dimension_semantics<core_parallel>, #tpu.dimension_semantics<subcore_parallel>], iteration_bounds = array<i64: 2, 16>, scalar_prefetch = 0 : i64, scratch_operands = 17 : i64, tpu.core_type = #tpu.core_type<sc_vector_subcore>, window_params = [{transform_indices = #map}, {transform_indices = #map}, {transform_indices = #map}, {transform_indices = #map}, {transform_indices = #map}, {transform_indices = #map}, {transform_indices = #map}, {transform_indices = #map}, {transform_indices = #map}, {transform_indices = #map}, {transform_indices = #map}, {transform_indices = #map}, {transform_indices = #map}, {transform_indices = #map}, {transform_indices = #map}, {transform_indices = #map}, {transform_indices = #map}]} {
    %mul3A = arith.constant 2 : i32
    %mul3A_0 = arith.muli %arg1, %mul3A : i32
    %add3A = arith.addi %mul3A_0, %arg0 : i32
    %mul3A_1 = arith.constant 288 : i32
    %mul3A_2 = arith.muli %add3A, %mul3A_1 : i32
    "tpu.region"() ({
      %run_scoped3A = tpu.sem_alloc : memref<!tpu.dma_semaphore, #tpu.memory_space<semaphore_mem>>
      tpu.enqueue_dma source(%arg2 : memref<5120xf32, #tpu.memory_space<hbm>>) target(%arg19 : memref<5120xf32, #tpu.memory_space<vmem>>) target_semaphore(%run_scoped3A : memref<!tpu.dma_semaphore, #tpu.memory_space<semaphore_mem>>)
      tpu.wait_dma2 semaphore(%run_scoped3A : memref<!tpu.dma_semaphore, #tpu.memory_space<semaphore_mem>>) src(%arg2 : memref<5120xf32, #tpu.memory_space<hbm>>) dst(%arg19 : memref<5120xf32, #tpu.memory_space<vmem>>)
      tpu.yield
    }) : () -> ()
    "tpu.region"() ({
      %run_scoped3A = tpu.sem_alloc : memref<!tpu.dma_semaphore, #tpu.memory_space<semaphore_mem>>
      tpu.enqueue_dma source(%arg3 : memref<5120xf32, #tpu.memory_space<hbm>>) target(%arg20 : memref<5120xf32, #tpu.memory_space<vmem>>) target_semaphore(%run_scoped3A : memref<!tpu.dma_semaphore, #tpu.memory_space<semaphore_mem>>)
      tpu.wait_dma2 semaphore(%run_scoped3A : memref<!tpu.dma_semaphore, #tpu.memory_space<semaphore_mem>>) src(%arg3 : memref<5120xf32, #tpu.memory_space<hbm>>) dst(%arg20 : memref<5120xf32, #tpu.memory_space<vmem>>)
      tpu.yield
    }) : () -> ()
    "tpu.region"() ({
      %run_scoped3A = tpu.sem_alloc : memref<!tpu.dma_semaphore, #tpu.memory_space<semaphore_mem>>
      tpu.enqueue_dma source(%arg4 : memref<5120xf32, #tpu.memory_space<hbm>>) target(%arg21 : memref<5120xf32, #tpu.memory_space<vmem>>) target_semaphore(%run_scoped3A : memref<!tpu.dma_semaphore, #tpu.memory_space<semaphore_mem>>)
      tpu.wait_dma2 semaphore(%run_scoped3A : memref<!tpu.dma_semaphore, #tpu.memory_space<semaphore_mem>>) src(%arg4 : memref<5120xf32, #tpu.memory_space<hbm>>) dst(%arg21 : memref<5120xf32, #tpu.memory_space<vmem>>)
      tpu.yield
    }) : () -> ()
    "tpu.region"() ({
      %run_scoped3A = tpu.sem_alloc : memref<!tpu.dma_semaphore, #tpu.memory_space<semaphore_mem>>
      tpu.enqueue_dma source(%arg5 : memref<5120xf32, #tpu.memory_space<hbm>>) target(%arg22 : memref<5120xf32, #tpu.memory_space<vmem>>) target_semaphore(%run_scoped3A : memref<!tpu.dma_semaphore, #tpu.memory_space<semaphore_mem>>)
      tpu.wait_dma2 semaphore(%run_scoped3A : memref<!tpu.dma_semaphore, #tpu.memory_space<semaphore_mem>>) src(%arg5 : memref<5120xf32, #tpu.memory_space<hbm>>) dst(%arg22 : memref<5120xf32, #tpu.memory_space<vmem>>)
      tpu.yield
    }) : () -> ()
    "tpu.region"() ({
      %run_scoped3A = tpu.sem_alloc : memref<!tpu.dma_semaphore, #tpu.memory_space<semaphore_mem>>
      tpu.enqueue_dma source(%arg6 : memref<5120xi32, #tpu.memory_space<hbm>>) target(%arg23 : memref<5120xi32, #tpu.memory_space<vmem>>) target_semaphore(%run_scoped3A : memref<!tpu.dma_semaphore, #tpu.memory_space<semaphore_mem>>)
      tpu.wait_dma2 semaphore(%run_scoped3A : memref<!tpu.dma_semaphore, #tpu.memory_space<semaphore_mem>>) src(%arg6 : memref<5120xi32, #tpu.memory_space<hbm>>) dst(%arg23 : memref<5120xi32, #tpu.memory_space<vmem>>)
      tpu.yield
    }) : () -> ()
    "tpu.region"() ({
      %run_scoped3A = tpu.sem_alloc : memref<!tpu.dma_semaphore, #tpu.memory_space<semaphore_mem>>
      %dma_start3A = tpu.memref_slice %arg7[%mul3A_2] : memref<9216xi32, #tpu.memory_space<hbm>> -> memref<288xi32, #tpu.memory_space<hbm>>
      %dma_start3A_826 = tpu.memref_slice %arg7[%mul3A_2] : memref<9216xi32, #tpu.memory_space<hbm>> -> memref<288xi32, #tpu.memory_space<hbm>>
      tpu.enqueue_dma source(%dma_start3A_826 : memref<288xi32, #tpu.memory_space<hbm>>) target(%arg24 : memref<288xi32, #tpu.memory_space<vmem>>) target_semaphore(%run_scoped3A : memref<!tpu.dma_semaphore, #tpu.memory_space<semaphore_mem>>)
      %dma_wait3A = tpu.memref_slice %arg7[%mul3A_2] : memref<9216xi32, #tpu.memory_space<hbm>> -> memref<288xi32, #tpu.memory_space<hbm>>
      %dma_wait3A_827 = tpu.memref_slice %arg7[%mul3A_2] : memref<9216xi32, #tpu.memory_space<hbm>> -> memref<288xi32, #tpu.memory_space<hbm>>
      tpu.wait_dma2 semaphore(%run_scoped3A : memref<!tpu.dma_semaphore, #tpu.memory_space<semaphore_mem>>) src(%dma_wait3A_827 : memref<288xi32, #tpu.memory_space<hbm>>) dst(%arg24 : memref<288xi32, #tpu.memory_space<vmem>>)
      tpu.yield
    }) : () -> ()
    "tpu.region"() ({
      %run_scoped3A = tpu.sem_alloc : memref<!tpu.dma_semaphore, #tpu.memory_space<semaphore_mem>>
      %dma_start3A = tpu.memref_slice %arg8[%mul3A_2] : memref<9216xf32, #tpu.memory_space<hbm>> -> memref<288xf32, #tpu.memory_space<hbm>>
      %dma_start3A_826 = tpu.memref_slice %arg8[%mul3A_2] : memref<9216xf32, #tpu.memory_space<hbm>> -> memref<288xf32, #tpu.memory_space<hbm>>
      tpu.enqueue_dma source(%dma_start3A_826 : memref<288xf32, #tpu.memory_space<hbm>>) target(%arg25 : memref<288xf32, #tpu.memory_space<vmem>>) target_semaphore(%run_scoped3A : memref<!tpu.dma_semaphore, #tpu.memory_space<semaphore_mem>>)
      %dma_wait3A = tpu.memref_slice %arg8[%mul3A_2] : memref<9216xf32, #tpu.memory_space<hbm>> -> memref<288xf32, #tpu.memory_space<hbm>>
      %dma_wait3A_827 = tpu.memref_slice %arg8[%mul3A_2] : memref<9216xf32, #tpu.memory_space<hbm>> -> memref<288xf32, #tpu.memory_space<hbm>>
      tpu.wait_dma2 semaphore(%run_scoped3A : memref<!tpu.dma_semaphore, #tpu.memory_space<semaphore_mem>>) src(%dma_wait3A_827 : memref<288xf32, #tpu.memory_space<hbm>>) dst(%arg25 : memref<288xf32, #tpu.memory_space<vmem>>)
      tpu.yield
    }) : () -> ()
    "tpu.region"() ({
      %run_scoped3A = tpu.sem_alloc : memref<!tpu.dma_semaphore, #tpu.memory_space<semaphore_mem>>
      %dma_start3A = tpu.memref_slice %arg9[%mul3A_2] : memref<9216xf32, #tpu.memory_space<hbm>> -> memref<288xf32, #tpu.memory_space<hbm>>
      %dma_start3A_826 = tpu.memref_slice %arg9[%mul3A_2] : memref<9216xf32, #tpu.memory_space<hbm>> -> memref<288xf32, #tpu.memory_space<hbm>>
      tpu.enqueue_dma source(%dma_start3A_826 : memref<288xf32, #tpu.memory_space<hbm>>) target(%arg26 : memref<288xf32, #tpu.memory_space<vmem>>) target_semaphore(%run_scoped3A : memref<!tpu.dma_semaphore, #tpu.memory_space<semaphore_mem>>)
      %dma_wait3A = tpu.memref_slice %arg9[%mul3A_2] : memref<9216xf32, #tpu.memory_space<hbm>> -> memref<288xf32, #tpu.memory_space<hbm>>
      %dma_wait3A_827 = tpu.memref_slice %arg9[%mul3A_2] : memref<9216xf32, #tpu.memory_space<hbm>> -> memref<288xf32, #tpu.memory_space<hbm>>
      tpu.wait_dma2 semaphore(%run_scoped3A : memref<!tpu.dma_semaphore, #tpu.memory_space<semaphore_mem>>) src(%dma_wait3A_827 : memref<288xf32, #tpu.memory_space<hbm>>) dst(%arg26 : memref<288xf32, #tpu.memory_space<vmem>>)
      tpu.yield
    }) : () -> ()
    "tpu.region"() ({
      %run_scoped3A = tpu.sem_alloc : memref<!tpu.dma_semaphore, #tpu.memory_space<semaphore_mem>>
      %dma_start3A = tpu.memref_slice %arg10[%mul3A_2] : memref<9216xf32, #tpu.memory_space<hbm>> -> memref<288xf32, #tpu.memory_space<hbm>>
      %dma_start3A_826 = tpu.memref_slice %arg10[%mul3A_2] : memref<9216xf32, #tpu.memory_space<hbm>> -> memref<288xf32, #tpu.memory_space<hbm>>
      tpu.enqueue_dma source(%dma_start3A_826 : memref<288xf32, #tpu.memory_space<hbm>>) target(%arg27 : memref<288xf32, #tpu.memory_space<vmem>>) target_semaphore(%run_scoped3A : memref<!tpu.dma_semaphore, #tpu.memory_space<semaphore_mem>>)
      %dma_wait3A = tpu.memref_slice %arg10[%mul3A_2] : memref<9216xf32, #tpu.memory_space<hbm>> -> memref<288xf32, #tpu.memory_space<hbm>>
      %dma_wait3A_827 = tpu.memref_slice %arg10[%mul3A_2] : memref<9216xf32, #tpu.memory_space<hbm>> -> memref<288xf32, #tpu.memory_space<hbm>>
      tpu.wait_dma2 semaphore(%run_scoped3A : memref<!tpu.dma_semaphore, #tpu.memory_space<semaphore_mem>>) src(%dma_wait3A_827 : memref<288xf32, #tpu.memory_space<hbm>>) dst(%arg27 : memref<288xf32, #tpu.memory_space<vmem>>)
      tpu.yield
    }) : () -> ()
    "tpu.region"() ({
      %run_scoped3A = tpu.sem_alloc : memref<!tpu.dma_semaphore, #tpu.memory_space<semaphore_mem>>
      %dma_start3A = tpu.memref_slice %arg11[%mul3A_2] : memref<9216xf32, #tpu.memory_space<hbm>> -> memref<288xf32, #tpu.memory_space<hbm>>
      %dma_start3A_826 = tpu.memref_slice %arg11[%mul3A_2] : memref<9216xf32, #tpu.memory_space<hbm>> -> memref<288xf32, #tpu.memory_space<hbm>>
      tpu.enqueue_dma source(%dma_start3A_826 : memref<288xf32, #tpu.memory_space<hbm>>) target(%arg28 : memref<288xf32, #tpu.memory_space<vmem>>) target_semaphore(%run_scoped3A : memref<!tpu.dma_semaphore, #tpu.memory_space<semaphore_mem>>)
      %dma_wait3A = tpu.memref_slice %arg11[%mul3A_2] : memref<9216xf32, #tpu.memory_space<hbm>> -> memref<288xf32, #tpu.memory_space<hbm>>
      %dma_wait3A_827 = tpu.memref_slice %arg11[%mul3A_2] : memref<9216xf32, #tpu.memory_space<hbm>> -> memref<288xf32, #tpu.memory_space<hbm>>
      tpu.wait_dma2 semaphore(%run_scoped3A : memref<!tpu.dma_semaphore, #tpu.memory_space<semaphore_mem>>) src(%dma_wait3A_827 : memref<288xf32, #tpu.memory_space<hbm>>) dst(%arg28 : memref<288xf32, #tpu.memory_space<vmem>>)
      tpu.yield
    }) : () -> ()
    "tpu.region"() ({
      %run_scoped3A = tpu.sem_alloc : memref<!tpu.dma_semaphore, #tpu.memory_space<semaphore_mem>>
      %dma_start3A = tpu.memref_slice %arg12[%mul3A_2] : memref<9216xf32, #tpu.memory_space<hbm>> -> memref<288xf32, #tpu.memory_space<hbm>>
      %dma_start3A_826 = tpu.memref_slice %arg12[%mul3A_2] : memref<9216xf32, #tpu.memory_space<hbm>> -> memref<288xf32, #tpu.memory_space<hbm>>
      tpu.enqueue_dma source(%dma_start3A_826 : memref<288xf32, #tpu.memory_space<hbm>>) target(%arg29 : memref<288xf32, #tpu.memory_space<vmem>>) target_semaphore(%run_scoped3A : memref<!tpu.dma_semaphore, #tpu.memory_space<semaphore_mem>>)
      %dma_wait3A = tpu.memref_slice %arg12[%mul3A_2] : memref<9216xf32, #tpu.memory_space<hbm>> -> memref<288xf32, #tpu.memory_space<hbm>>
      %dma_wait3A_827 = tpu.memref_slice %arg12[%mul3A_2] : memref<9216xf32, #tpu.memory_space<hbm>> -> memref<288xf32, #tpu.memory_space<hbm>>
      tpu.wait_dma2 semaphore(%run_scoped3A : memref<!tpu.dma_semaphore, #tpu.memory_space<semaphore_mem>>) src(%dma_wait3A_827 : memref<288xf32, #tpu.memory_space<hbm>>) dst(%arg29 : memref<288xf32, #tpu.memory_space<vmem>>)
      tpu.yield
    }) : () -> ()
    "tpu.region"() ({
      %run_scoped3A = tpu.sem_alloc : memref<!tpu.dma_semaphore, #tpu.memory_space<semaphore_mem>>
      %dma_start3A = tpu.memref_slice %arg13[%mul3A_2] : memref<9216xf32, #tpu.memory_space<hbm>> -> memref<288xf32, #tpu.memory_space<hbm>>
      %dma_start3A_826 = tpu.memref_slice %arg13[%mul3A_2] : memref<9216xf32, #tpu.memory_space<hbm>> -> memref<288xf32, #tpu.memory_space<hbm>>
      tpu.enqueue_dma source(%dma_start3A_826 : memref<288xf32, #tpu.memory_space<hbm>>) target(%arg30 : memref<288xf32, #tpu.memory_space<vmem>>) target_semaphore(%run_scoped3A : memref<!tpu.dma_semaphore, #tpu.memory_space<semaphore_mem>>)
      %dma_wait3A = tpu.memref_slice %arg13[%mul3A_2] : memref<9216xf32, #tpu.memory_space<hbm>> -> memref<288xf32, #tpu.memory_space<hbm>>
      %dma_wait3A_827 = tpu.memref_slice %arg13[%mul3A_2] : memref<9216xf32, #tpu.memory_space<hbm>> -> memref<288xf32, #tpu.memory_space<hbm>>
      tpu.wait_dma2 semaphore(%run_scoped3A : memref<!tpu.dma_semaphore, #tpu.memory_space<semaphore_mem>>) src(%dma_wait3A_827 : memref<288xf32, #tpu.memory_space<hbm>>) dst(%arg30 : memref<288xf32, #tpu.memory_space<vmem>>)
      tpu.yield
    }) : () -> ()
    %broadcast_in_dim3A = arith.constant 0.000000e+00 : f32
    %broadcast_in_dim3A_3 = vector.broadcast %broadcast_in_dim3A : f32 to vector<16xf32>
    %broadcast_in_dim3A_4 = arith.constant 0 : i32
    %broadcast_in_dim3A_5 = vector.broadcast %broadcast_in_dim3A_4 : i32 to vector<16xi32>
    %get3A = arith.constant 0 : index
    %get3A_6 = tpu.vector_load %arg24[%get3A] {strides = array<i32>} : memref<288xi32, #tpu.memory_space<vmem>>, vector<16xi32>,
    %max3A = arith.constant 0 : i32
    %max3A_7 = vector.broadcast %max3A : i32 to vector<16xi32>
    %max3A_8 = arith.maxsi %get3A_6, %max3A_7 : vector<16xi32>
    %gather3A = tpu.vector_load_idx %arg19[%max3A_8] : memref<5120xf32, #tpu.memory_space<vmem>>[vector<16xi32>], vector<16xf32>,
    %gather3A_9 = tpu.vector_load_idx %arg20[%max3A_8] : memref<5120xf32, #tpu.memory_space<vmem>>[vector<16xi32>], vector<16xf32>,
    %gather3A_10 = tpu.vector_load_idx %arg21[%max3A_8] : memref<5120xf32, #tpu.memory_space<vmem>>[vector<16xi32>], vector<16xf32>,
    %gather3A_11 = tpu.vector_load_idx %arg22[%max3A_8] : memref<5120xf32, #tpu.memory_space<vmem>>[vector<16xi32>], vector<16xf32>,
    %gather3A_12 = tpu.vector_load_idx %arg23[%max3A_8] : memref<5120xi32, #tpu.memory_space<vmem>>[vector<16xi32>], vector<16xi32>,
    %ge3A = arith.constant 0 : i32
    %ge3A_13 = vector.broadcast %ge3A : i32 to vector<16xi32>
    %ge3A_14 = arith.cmpi sge, %get3A_6, %ge3A_13 : vector<16xi32>
    %get3A_15 = arith.constant 0 : index
    %get3A_16 = tpu.vector_load %arg25[%get3A_15] {strides = array<i32>} : memref<288xf32, #tpu.memory_space<vmem>>, vector<16xf32>,
    %sub3A = arith.subf %gather3A, %get3A_16 : vector<16xf32>
    %get3A_17 = arith.constant 0 : index
    %get3A_18 = tpu.vector_load %arg27[%get3A_17] {strides = array<i32>} : memref<288xf32, #tpu.memory_space<vmem>>, vector<16xf32>,
    %div3A = arith.divf %sub3A, %get3A_18 : vector<16xf32>
    %select_n3A = arith.select %ge3A_14, %div3A, %broadcast_in_dim3A_3 : vector<16xi1>, vector<16xf32>
    %swap3A = arith.constant 0 : index
    %swap3A_19 = tpu.vector_load %arg31[%swap3A] {strides = array<i32>} : memref<288xf32, #tpu.memory_space<vmem>>, vector<16xf32>,
    tpu.vector_store %arg31[%swap3A], %select_n3A {strides = array<i32>} : memref<288xf32, #tpu.memory_space<vmem>>, vector<16xf32>,
    %get3A_20 = arith.constant 0 : index
    %get3A_21 = tpu.vector_load %arg26[%get3A_20] {strides = array<i32>} : memref<288xf32, #tpu.memory_space<vmem>>, vector<16xf32>,
    %sub3A_22 = arith.subf %gather3A_9, %get3A_21 : vector<16xf32>
    %get3A_23 = arith.constant 0 : index
    %get3A_24 = tpu.vector_load %arg28[%get3A_23] {strides = array<i32>} : memref<288xf32, #tpu.memory_space<vmem>>, vector<16xf32>,
    %div3A_25 = arith.divf %sub3A_22, %get3A_24 : vector<16xf32>
    %select_n3A_26 = arith.select %ge3A_14, %div3A_25, %broadcast_in_dim3A_3 : vector<16xi1>, vector<16xf32>
    %swap3A_27 = arith.constant 0 : index
    %swap3A_28 = tpu.vector_load %arg32[%swap3A_27] {strides = array<i32>} : memref<288xf32, #tpu.memory_space<vmem>>, vector<16xf32>,
    tpu.vector_store %arg32[%swap3A_27], %select_n3A_26 {strides = array<i32>} : memref<288xf32, #tpu.memory_space<vmem>>, vector<16xf32>,
    %get3A_29 = arith.constant 0 : index
    %get3A_30 = tpu.vector_load %arg29[%get3A_29] {strides = array<i32>} : memref<288xf32, #tpu.memory_space<vmem>>, vector<16xf32>,
    %sub3A_31 = arith.subf %gather3A_10, %get3A_30 : vector<16xf32>
    %select_n3A_32 = arith.select %ge3A_14, %sub3A_31, %broadcast_in_dim3A_3 : vector<16xi1>, vector<16xf32>
    %swap3A_33 = arith.constant 0 : index
    %swap3A_34 = tpu.vector_load %arg33[%swap3A_33] {strides = array<i32>} : memref<288xf32, #tpu.memory_space<vmem>>, vector<16xf32>,
    tpu.vector_store %arg33[%swap3A_33], %select_n3A_32 {strides = array<i32>} : memref<288xf32, #tpu.memory_space<vmem>>, vector<16xf32>,
    %get3A_35 = arith.constant 0 : index
    %get3A_36 = tpu.vector_load %arg30[%get3A_35] {strides = array<i32>} : memref<288xf32, #tpu.memory_space<vmem>>, vector<16xf32>,
    %sub3A_37 = arith.subf %gather3A_11, %get3A_36 : vector<16xf32>
    %select_n3A_38 = arith.select %ge3A_14, %sub3A_37, %broadcast_in_dim3A_3 : vector<16xi1>, vector<16xf32>
    %swap3A_39 = arith.constant 0 : index
    %swap3A_40 = tpu.vector_load %arg34[%swap3A_39] {strides = array<i32>} : memref<288xf32, #tpu.memory_space<vmem>>, vector<16xf32>,
    tpu.vector_store %arg34[%swap3A_39], %select_n3A_38 {strides = array<i32>} : memref<288xf32, #tpu.memory_space<vmem>>, vector<16xf32>,
    %select_n3A_41 = arith.select %ge3A_14, %gather3A_12, %broadcast_in_dim3A_5 : vector<16xi1>, vector<16xi32>
    %swap3A_42 = arith.constant 0 : index
    %swap3A_43 = tpu.vector_load %arg35[%swap3A_42] {strides = array<i32>} : memref<288xi32, #tpu.memory_space<vmem>>, vector<16xi32>,
    tpu.vector_store %arg35[%swap3A_42], %select_n3A_41 {strides = array<i32>} : memref<288xi32, #tpu.memory_space<vmem>>, vector<16xi32>,
    %get3A_44 = arith.constant 16 : index
    %get3A_45 = tpu.vector_load %arg24[%get3A_44] {strides = array<i32>} : memref<288xi32, #tpu.memory_space<vmem>>, vector<16xi32>,
    %max3A_46 = arith.constant 0 : i32
    %max3A_47 = vector.broadcast %max3A_46 : i32 to vector<16xi32>
    %max3A_48 = arith.maxsi %get3A_45, %max3A_47 : vector<16xi32>
    %gather3A_49 = tpu.vector_load_idx %arg19[%max3A_48] : memref<5120xf32, #tpu.memory_space<vmem>>[vector<16xi32>], vector<16xf32>,
    %gather3A_50 = tpu.vector_load_idx %arg20[%max3A_48] : memref<5120xf32, #tpu.memory_space<vmem>>[vector<16xi32>], vector<16xf32>,
    %gather3A_51 = tpu.vector_load_idx %arg21[%max3A_48] : memref<5120xf32, #tpu.memory_space<vmem>>[vector<16xi32>], vector<16xf32>,
    %gather3A_52 = tpu.vector_load_idx %arg22[%max3A_48] : memref<5120xf32, #tpu.memory_space<vmem>>[vector<16xi32>], vector<16xf32>,
    %gather3A_53 = tpu.vector_load_idx %arg23[%max3A_48] : memref<5120xi32, #tpu.memory_space<vmem>>[vector<16xi32>], vector<16xi32>,
    %ge3A_54 = arith.constant 0 : i32
    %ge3A_55 = vector.broadcast %ge3A_54 : i32 to vector<16xi32>
    %ge3A_56 = arith.cmpi sge, %get3A_45, %ge3A_55 : vector<16xi32>
    %get3A_57 = arith.constant 16 : index
    %get3A_58 = tpu.vector_load %arg25[%get3A_57] {strides = array<i32>} : memref<288xf32, #tpu.memory_space<vmem>>, vector<16xf32>,
    %sub3A_59 = arith.subf %gather3A_49, %get3A_58 : vector<16xf32>
    %get3A_60 = arith.constant 16 : index
    %get3A_61 = tpu.vector_load %arg27[%get3A_60] {strides = array<i32>} : memref<288xf32, #tpu.memory_space<vmem>>, vector<16xf32>,
    %div3A_62 = arith.divf %sub3A_59, %get3A_61 : vector<16xf32>
    %select_n3A_63 = arith.select %ge3A_56, %div3A_62, %broadcast_in_dim3A_3 : vector<16xi1>, vector<16xf32>
    %swap3A_64 = arith.constant 16 : index
    %swap3A_65 = tpu.vector_load %arg31[%swap3A_64] {strides = array<i32>} : memref<288xf32, #tpu.memory_space<vmem>>, vector<16xf32>,
    tpu.vector_store %arg31[%swap3A_64], %select_n3A_63 {strides = array<i32>} : memref<288xf32, #tpu.memory_space<vmem>>, vector<16xf32>,
    %get3A_66 = arith.constant 16 : index
    %get3A_67 = tpu.vector_load %arg26[%get3A_66] {strides = array<i32>} : memref<288xf32, #tpu.memory_space<vmem>>, vector<16xf32>,
    %sub3A_68 = arith.subf %gather3A_50, %get3A_67 : vector<16xf32>
    %get3A_69 = arith.constant 16 : index
    %get3A_70 = tpu.vector_load %arg28[%get3A_69] {strides = array<i32>} : memref<288xf32, #tpu.memory_space<vmem>>, vector<16xf32>,
    %div3A_71 = arith.divf %sub3A_68, %get3A_70 : vector<16xf32>
    %select_n3A_72 = arith.select %ge3A_56, %div3A_71, %broadcast_in_dim3A_3 : vector<16xi1>, vector<16xf32>
    %swap3A_73 = arith.constant 16 : index
    %swap3A_74 = tpu.vector_load %arg32[%swap3A_73] {strides = array<i32>} : memref<288xf32, #tpu.memory_space<vmem>>, vector<16xf32>,
    tpu.vector_store %arg32[%swap3A_73], %select_n3A_72 {strides = array<i32>} : memref<288xf32, #tpu.memory_space<vmem>>, vector<16xf32>,
    %get3A_75 = arith.constant 16 : index
    %get3A_76 = tpu.vector_load %arg29[%get3A_75] {strides = array<i32>} : memref<288xf32, #tpu.memory_space<vmem>>, vector<16xf32>,
    %sub3A_77 = arith.subf %gather3A_51, %get3A_76 : vector<16xf32>
    %select_n3A_78 = arith.select %ge3A_56, %sub3A_77, %broadcast_in_dim3A_3 : vector<16xi1>, vector<16xf32>
    %swap3A_79 = arith.constant 16 : index
    %swap3A_80 = tpu.vector_load %arg33[%swap3A_79] {strides = array<i32>} : memref<288xf32, #tpu.memory_space<vmem>>, vector<16xf32>,
    tpu.vector_store %arg33[%swap3A_79], %select_n3A_78 {strides = array<i32>} : memref<288xf32, #tpu.memory_space<vmem>>, vector<16xf32>,
    %get3A_81 = arith.constant 16 : index
    %get3A_82 = tpu.vector_load %arg30[%get3A_81] {strides = array<i32>} : memref<288xf32, #tpu.memory_space<vmem>>, vector<16xf32>,
    %sub3A_83 = arith.subf %gather3A_52, %get3A_82 : vector<16xf32>
    %select_n3A_84 = arith.select %ge3A_56, %sub3A_83, %broadcast_in_dim3A_3 : vector<16xi1>, vector<16xf32>
    %swap3A_85 = arith.constant 16 : index
    %swap3A_86 = tpu.vector_load %arg34[%swap3A_85] {strides = array<i32>} : memref<288xf32, #tpu.memory_space<vmem>>, vector<16xf32>,
    tpu.vector_store %arg34[%swap3A_85], %select_n3A_84 {strides = array<i32>} : memref<288xf32, #tpu.memory_space<vmem>>, vector<16xf32>,
    %select_n3A_87 = arith.select %ge3A_56, %gather3A_53, %broadcast_in_dim3A_5 : vector<16xi1>, vector<16xi32>
    %swap3A_88 = arith.constant 16 : index
    %swap3A_89 = tpu.vector_load %arg35[%swap3A_88] {strides = array<i32>} : memref<288xi32, #tpu.memory_space<vmem>>, vector<16xi32>,
    tpu.vector_store %arg35[%swap3A_88], %select_n3A_87 {strides = array<i32>} : memref<288xi32, #tpu.memory_space<vmem>>, vector<16xi32>,
    %get3A_90 = arith.constant 32 : index
    %get3A_91 = tpu.vector_load %arg24[%get3A_90] {strides = array<i32>} : memref<288xi32, #tpu.memory_space<vmem>>, vector<16xi32>,
    %max3A_92 = arith.constant 0 : i32
    %max3A_93 = vector.broadcast %max3A_92 : i32 to vector<16xi32>
    %max3A_94 = arith.maxsi %get3A_91, %max3A_93 : vector<16xi32>
    %gather3A_95 = tpu.vector_load_idx %arg19[%max3A_94] : memref<5120xf32, #tpu.memory_space<vmem>>[vector<16xi32>], vector<16xf32>,
    %gather3A_96 = tpu.vector_load_idx %arg20[%max3A_94] : memref<5120xf32, #tpu.memory_space<vmem>>[vector<16xi32>], vector<16xf32>,
    %gather3A_97 = tpu.vector_load_idx %arg21[%max3A_94] : memref<5120xf32, #tpu.memory_space<vmem>>[vector<16xi32>], vector<16xf32>,
    %gather3A_98 = tpu.vector_load_idx %arg22[%max3A_94] : memref<5120xf32, #tpu.memory_space<vmem>>[vector<16xi32>], vector<16xf32>,
    %gather3A_99 = tpu.vector_load_idx %arg23[%max3A_94] : memref<5120xi32, #tpu.memory_space<vmem>>[vector<16xi32>], vector<16xi32>,
    %ge3A_100 = arith.constant 0 : i32
    %ge3A_101 = vector.broadcast %ge3A_100 : i32 to vector<16xi32>
    %ge3A_102 = arith.cmpi sge, %get3A_91, %ge3A_101 : vector<16xi32>
    %get3A_103 = arith.constant 32 : index
    %get3A_104 = tpu.vector_load %arg25[%get3A_103] {strides = array<i32>} : memref<288xf32, #tpu.memory_space<vmem>>, vector<16xf32>,
    %sub3A_105 = arith.subf %gather3A_95, %get3A_104 : vector<16xf32>
    %get3A_106 = arith.constant 32 : index
    %get3A_107 = tpu.vector_load %arg27[%get3A_106] {strides = array<i32>} : memref<288xf32, #tpu.memory_space<vmem>>, vector<16xf32>,
    %div3A_108 = arith.divf %sub3A_105, %get3A_107 : vector<16xf32>
    %select_n3A_109 = arith.select %ge3A_102, %div3A_108, %broadcast_in_dim3A_3 : vector<16xi1>, vector<16xf32>
    %swap3A_110 = arith.constant 32 : index
    %swap3A_111 = tpu.vector_load %arg31[%swap3A_110] {strides = array<i32>} : memref<288xf32, #tpu.memory_space<vmem>>, vector<16xf32>,
    tpu.vector_store %arg31[%swap3A_110], %select_n3A_109 {strides = array<i32>} : memref<288xf32, #tpu.memory_space<vmem>>, vector<16xf32>,
    %get3A_112 = arith.constant 32 : index
    %get3A_113 = tpu.vector_load %arg26[%get3A_112] {strides = array<i32>} : memref<288xf32, #tpu.memory_space<vmem>>, vector<16xf32>,
    %sub3A_114 = arith.subf %gather3A_96, %get3A_113 : vector<16xf32>
    %get3A_115 = arith.constant 32 : index
    %get3A_116 = tpu.vector_load %arg28[%get3A_115] {strides = array<i32>} : memref<288xf32, #tpu.memory_space<vmem>>, vector<16xf32>,
    %div3A_117 = arith.divf %sub3A_114, %get3A_116 : vector<16xf32>
    %select_n3A_118 = arith.select %ge3A_102, %div3A_117, %broadcast_in_dim3A_3 : vector<16xi1>, vector<16xf32>
    %swap3A_119 = arith.constant 32 : index
    %swap3A_120 = tpu.vector_load %arg32[%swap3A_119] {strides = array<i32>} : memref<288xf32, #tpu.memory_space<vmem>>, vector<16xf32>,
    tpu.vector_store %arg32[%swap3A_119], %select_n3A_118 {strides = array<i32>} : memref<288xf32, #tpu.memory_space<vmem>>, vector<16xf32>,
    %get3A_121 = arith.constant 32 : index
    %get3A_122 = tpu.vector_load %arg29[%get3A_121] {strides = array<i32>} : memref<288xf32, #tpu.memory_space<vmem>>, vector<16xf32>,
    %sub3A_123 = arith.subf %gather3A_97, %get3A_122 : vector<16xf32>
    %select_n3A_124 = arith.select %ge3A_102, %sub3A_123, %broadcast_in_dim3A_3 : vector<16xi1>, vector<16xf32>
    %swap3A_125 = arith.constant 32 : index
    %swap3A_126 = tpu.vector_load %arg33[%swap3A_125] {strides = array<i32>} : memref<288xf32, #tpu.memory_space<vmem>>, vector<16xf32>,
    tpu.vector_store %arg33[%swap3A_125], %select_n3A_124 {strides = array<i32>} : memref<288xf32, #tpu.memory_space<vmem>>, vector<16xf32>,
    %get3A_127 = arith.constant 32 : index
    %get3A_128 = tpu.vector_load %arg30[%get3A_127] {strides = array<i32>} : memref<288xf32, #tpu.memory_space<vmem>>, vector<16xf32>,
    %sub3A_129 = arith.subf %gather3A_98, %get3A_128 : vector<16xf32>
    %select_n3A_130 = arith.select %ge3A_102, %sub3A_129, %broadcast_in_dim3A_3 : vector<16xi1>, vector<16xf32>
    %swap3A_131 = arith.constant 32 : index
    %swap3A_132 = tpu.vector_load %arg34[%swap3A_131] {strides = array<i32>} : memref<288xf32, #tpu.memory_space<vmem>>, vector<16xf32>,
    tpu.vector_store %arg34[%swap3A_131], %select_n3A_130 {strides = array<i32>} : memref<288xf32, #tpu.memory_space<vmem>>, vector<16xf32>,
    %select_n3A_133 = arith.select %ge3A_102, %gather3A_99, %broadcast_in_dim3A_5 : vector<16xi1>, vector<16xi32>
    %swap3A_134 = arith.constant 32 : index
    %swap3A_135 = tpu.vector_load %arg35[%swap3A_134] {strides = array<i32>} : memref<288xi32, #tpu.memory_space<vmem>>, vector<16xi32>,
    tpu.vector_store %arg35[%swap3A_134], %select_n3A_133 {strides = array<i32>} : memref<288xi32, #tpu.memory_space<vmem>>, vector<16xi32>,
    %get3A_136 = arith.constant 48 : index
    %get3A_137 = tpu.vector_load %arg24[%get3A_136] {strides = array<i32>} : memref<288xi32, #tpu.memory_space<vmem>>, vector<16xi32>,
    %max3A_138 = arith.constant 0 : i32
    %max3A_139 = vector.broadcast %max3A_138 : i32 to vector<16xi32>
    %max3A_140 = arith.maxsi %get3A_137, %max3A_139 : vector<16xi32>
    %gather3A_141 = tpu.vector_load_idx %arg19[%max3A_140] : memref<5120xf32, #tpu.memory_space<vmem>>[vector<16xi32>], vector<16xf32>,
    %gather3A_142 = tpu.vector_load_idx %arg20[%max3A_140] : memref<5120xf32, #tpu.memory_space<vmem>>[vector<16xi32>], vector<16xf32>,
    %gather3A_143 = tpu.vector_load_idx %arg21[%max3A_140] : memref<5120xf32, #tpu.memory_space<vmem>>[vector<16xi32>], vector<16xf32>,
    %gather3A_144 = tpu.vector_load_idx %arg22[%max3A_140] : memref<5120xf32, #tpu.memory_space<vmem>>[vector<16xi32>], vector<16xf32>,
    %gather3A_145 = tpu.vector_load_idx %arg23[%max3A_140] : memref<5120xi32, #tpu.memory_space<vmem>>[vector<16xi32>], vector<16xi32>,
    %ge3A_146 = arith.constant 0 : i32
    %ge3A_147 = vector.broadcast %ge3A_146 : i32 to vector<16xi32>
    %ge3A_148 = arith.cmpi sge, %get3A_137, %ge3A_147 : vector<16xi32>
    %get3A_149 = arith.constant 48 : index
    %get3A_150 = tpu.vector_load %arg25[%get3A_149] {strides = array<i32>} : memref<288xf32, #tpu.memory_space<vmem>>, vector<16xf32>,
    %sub3A_151 = arith.subf %gather3A_141, %get3A_150 : vector<16xf32>
    %get3A_152 = arith.constant 48 : index
    %get3A_153 = tpu.vector_load %arg27[%get3A_152] {strides = array<i32>} : memref<288xf32, #tpu.memory_space<vmem>>, vector<16xf32>,
    %div3A_154 = arith.divf %sub3A_151, %get3A_153 : vector<16xf32>
    %select_n3A_155 = arith.select %ge3A_148, %div3A_154, %broadcast_in_dim3A_3 : vector<16xi1>, vector<16xf32>
    %swap3A_156 = arith.constant 48 : index
    %swap3A_157 = tpu.vector_load %arg31[%swap3A_156] {strides = array<i32>} : memref<288xf32, #tpu.memory_space<vmem>>, vector<16xf32>,
    tpu.vector_store %arg31[%swap3A_156], %select_n3A_155 {strides = array<i32>} : memref<288xf32, #tpu.memory_space<vmem>>, vector<16xf32>,
    %get3A_158 = arith.constant 48 : index
    %get3A_159 = tpu.vector_load %arg26[%get3A_158] {strides = array<i32>} : memref<288xf32, #tpu.memory_space<vmem>>, vector<16xf32>,
    %sub3A_160 = arith.subf %gather3A_142, %get3A_159 : vector<16xf32>
    %get3A_161 = arith.constant 48 : index
    %get3A_162 = tpu.vector_load %arg28[%get3A_161] {strides = array<i32>} : memref<288xf32, #tpu.memory_space<vmem>>, vector<16xf32>,
    %div3A_163 = arith.divf %sub3A_160, %get3A_162 : vector<16xf32>
    %select_n3A_164 = arith.select %ge3A_148, %div3A_163, %broadcast_in_dim3A_3 : vector<16xi1>, vector<16xf32>
    %swap3A_165 = arith.constant 48 : index
    %swap3A_166 = tpu.vector_load %arg32[%swap3A_165] {strides = array<i32>} : memref<288xf32, #tpu.memory_space<vmem>>, vector<16xf32>,
    tpu.vector_store %arg32[%swap3A_165], %select_n3A_164 {strides = array<i32>} : memref<288xf32, #tpu.memory_space<vmem>>, vector<16xf32>,
    %get3A_167 = arith.constant 48 : index
    %get3A_168 = tpu.vector_load %arg29[%get3A_167] {strides = array<i32>} : memref<288xf32, #tpu.memory_space<vmem>>, vector<16xf32>,
    %sub3A_169 = arith.subf %gather3A_143, %get3A_168 : vector<16xf32>
    %select_n3A_170 = arith.select %ge3A_148, %sub3A_169, %broadcast_in_dim3A_3 : vector<16xi1>, vector<16xf32>
    %swap3A_171 = arith.constant 48 : index
    %swap3A_172 = tpu.vector_load %arg33[%swap3A_171] {strides = array<i32>} : memref<288xf32, #tpu.memory_space<vmem>>, vector<16xf32>,
    tpu.vector_store %arg33[%swap3A_171], %select_n3A_170 {strides = array<i32>} : memref<288xf32, #tpu.memory_space<vmem>>, vector<16xf32>,
    %get3A_173 = arith.constant 48 : index
    %get3A_174 = tpu.vector_load %arg30[%get3A_173] {strides = array<i32>} : memref<288xf32, #tpu.memory_space<vmem>>, vector<16xf32>,
    %sub3A_175 = arith.subf %gather3A_144, %get3A_174 : vector<16xf32>
    %select_n3A_176 = arith.select %ge3A_148, %sub3A_175, %broadcast_in_dim3A_3 : vector<16xi1>, vector<16xf32>
    %swap3A_177 = arith.constant 48 : index
    %swap3A_178 = tpu.vector_load %arg34[%swap3A_177] {strides = array<i32>} : memref<288xf32, #tpu.memory_space<vmem>>, vector<16xf32>,
    tpu.vector_store %arg34[%swap3A_177], %select_n3A_176 {strides = array<i32>} : memref<288xf32, #tpu.memory_space<vmem>>, vector<16xf32>,
    %select_n3A_179 = arith.select %ge3A_148, %gather3A_145, %broadcast_in_dim3A_5 : vector<16xi1>, vector<16xi32>
    %swap3A_180 = arith.constant 48 : index
    %swap3A_181 = tpu.vector_load %arg35[%swap3A_180] {strides = array<i32>} : memref<288xi32, #tpu.memory_space<vmem>>, vector<16xi32>,
    tpu.vector_store %arg35[%swap3A_180], %select_n3A_179 {strides = array<i32>} : memref<288xi32, #tpu.memory_space<vmem>>, vector<16xi32>,
    %get3A_182 = arith.constant 64 : index
    %get3A_183 = tpu.vector_load %arg24[%get3A_182] {strides = array<i32>} : memref<288xi32, #tpu.memory_space<vmem>>, vector<16xi32>,
    %max3A_184 = arith.constant 0 : i32
    %max3A_185 = vector.broadcast %max3A_184 : i32 to vector<16xi32>
    %max3A_186 = arith.maxsi %get3A_183, %max3A_185 : vector<16xi32>
    %gather3A_187 = tpu.vector_load_idx %arg19[%max3A_186] : memref<5120xf32, #tpu.memory_space<vmem>>[vector<16xi32>], vector<16xf32>,
    %gather3A_188 = tpu.vector_load_idx %arg20[%max3A_186] : memref<5120xf32, #tpu.memory_space<vmem>>[vector<16xi32>], vector<16xf32>,
    %gather3A_189 = tpu.vector_load_idx %arg21[%max3A_186] : memref<5120xf32, #tpu.memory_space<vmem>>[vector<16xi32>], vector<16xf32>,
    %gather3A_190 = tpu.vector_load_idx %arg22[%max3A_186] : memref<5120xf32, #tpu.memory_space<vmem>>[vector<16xi32>], vector<16xf32>,
    %gather3A_191 = tpu.vector_load_idx %arg23[%max3A_186] : memref<5120xi32, #tpu.memory_space<vmem>>[vector<16xi32>], vector<16xi32>,
    %ge3A_192 = arith.constant 0 : i32
    %ge3A_193 = vector.broadcast %ge3A_192 : i32 to vector<16xi32>
    %ge3A_194 = arith.cmpi sge, %get3A_183, %ge3A_193 : vector<16xi32>
    %get3A_195 = arith.constant 64 : index
    %get3A_196 = tpu.vector_load %arg25[%get3A_195] {strides = array<i32>} : memref<288xf32, #tpu.memory_space<vmem>>, vector<16xf32>,
    %sub3A_197 = arith.subf %gather3A_187, %get3A_196 : vector<16xf32>
    %get3A_198 = arith.constant 64 : index
    %get3A_199 = tpu.vector_load %arg27[%get3A_198] {strides = array<i32>} : memref<288xf32, #tpu.memory_space<vmem>>, vector<16xf32>,
    %div3A_200 = arith.divf %sub3A_197, %get3A_199 : vector<16xf32>
    %select_n3A_201 = arith.select %ge3A_194, %div3A_200, %broadcast_in_dim3A_3 : vector<16xi1>, vector<16xf32>
    %swap3A_202 = arith.constant 64 : index
    %swap3A_203 = tpu.vector_load %arg31[%swap3A_202] {strides = array<i32>} : memref<288xf32, #tpu.memory_space<vmem>>, vector<16xf32>,
    tpu.vector_store %arg31[%swap3A_202], %select_n3A_201 {strides = array<i32>} : memref<288xf32, #tpu.memory_space<vmem>>, vector<16xf32>,
    %get3A_204 = arith.constant 64 : index
    %get3A_205 = tpu.vector_load %arg26[%get3A_204] {strides = array<i32>} : memref<288xf32, #tpu.memory_space<vmem>>, vector<16xf32>,
    %sub3A_206 = arith.subf %gather3A_188, %get3A_205 : vector<16xf32>
    %get3A_207 = arith.constant 64 : index
    %get3A_208 = tpu.vector_load %arg28[%get3A_207] {strides = array<i32>} : memref<288xf32, #tpu.memory_space<vmem>>, vector<16xf32>,
    %div3A_209 = arith.divf %sub3A_206, %get3A_208 : vector<16xf32>
    %select_n3A_210 = arith.select %ge3A_194, %div3A_209, %broadcast_in_dim3A_3 : vector<16xi1>, vector<16xf32>
    %swap3A_211 = arith.constant 64 : index
    %swap3A_212 = tpu.vector_load %arg32[%swap3A_211] {strides = array<i32>} : memref<288xf32, #tpu.memory_space<vmem>>, vector<16xf32>,
    tpu.vector_store %arg32[%swap3A_211], %select_n3A_210 {strides = array<i32>} : memref<288xf32, #tpu.memory_space<vmem>>, vector<16xf32>,
    %get3A_213 = arith.constant 64 : index
    %get3A_214 = tpu.vector_load %arg29[%get3A_213] {strides = array<i32>} : memref<288xf32, #tpu.memory_space<vmem>>, vector<16xf32>,
    %sub3A_215 = arith.subf %gather3A_189, %get3A_214 : vector<16xf32>
    %select_n3A_216 = arith.select %ge3A_194, %sub3A_215, %broadcast_in_dim3A_3 : vector<16xi1>, vector<16xf32>
    %swap3A_217 = arith.constant 64 : index
    %swap3A_218 = tpu.vector_load %arg33[%swap3A_217] {strides = array<i32>} : memref<288xf32, #tpu.memory_space<vmem>>, vector<16xf32>,
    tpu.vector_store %arg33[%swap3A_217], %select_n3A_216 {strides = array<i32>} : memref<288xf32, #tpu.memory_space<vmem>>, vector<16xf32>,
    %get3A_219 = arith.constant 64 : index
    %get3A_220 = tpu.vector_load %arg30[%get3A_219] {strides = array<i32>} : memref<288xf32, #tpu.memory_space<vmem>>, vector<16xf32>,
    %sub3A_221 = arith.subf %gather3A_190, %get3A_220 : vector<16xf32>
    %select_n3A_222 = arith.select %ge3A_194, %sub3A_221, %broadcast_in_dim3A_3 : vector<16xi1>, vector<16xf32>
    %swap3A_223 = arith.constant 64 : index
    %swap3A_224 = tpu.vector_load %arg34[%swap3A_223] {strides = array<i32>} : memref<288xf32, #tpu.memory_space<vmem>>, vector<16xf32>,
    tpu.vector_store %arg34[%swap3A_223], %select_n3A_222 {strides = array<i32>} : memref<288xf32, #tpu.memory_space<vmem>>, vector<16xf32>,
    %select_n3A_225 = arith.select %ge3A_194, %gather3A_191, %broadcast_in_dim3A_5 : vector<16xi1>, vector<16xi32>
    %swap3A_226 = arith.constant 64 : index
    %swap3A_227 = tpu.vector_load %arg35[%swap3A_226] {strides = array<i32>} : memref<288xi32, #tpu.memory_space<vmem>>, vector<16xi32>,
    tpu.vector_store %arg35[%swap3A_226], %select_n3A_225 {strides = array<i32>} : memref<288xi32, #tpu.memory_space<vmem>>, vector<16xi32>,
    %get3A_228 = arith.constant 80 : index
    %get3A_229 = tpu.vector_load %arg24[%get3A_228] {strides = array<i32>} : memref<288xi32, #tpu.memory_space<vmem>>, vector<16xi32>,
    %max3A_230 = arith.constant 0 : i32
    %max3A_231 = vector.broadcast %max3A_230 : i32 to vector<16xi32>
    %max3A_232 = arith.maxsi %get3A_229, %max3A_231 : vector<16xi32>
    %gather3A_233 = tpu.vector_load_idx %arg19[%max3A_232] : memref<5120xf32, #tpu.memory_space<vmem>>[vector<16xi32>], vector<16xf32>,
    %gather3A_234 = tpu.vector_load_idx %arg20[%max3A_232] : memref<5120xf32, #tpu.memory_space<vmem>>[vector<16xi32>], vector<16xf32>,
    %gather3A_235 = tpu.vector_load_idx %arg21[%max3A_232] : memref<5120xf32, #tpu.memory_space<vmem>>[vector<16xi32>], vector<16xf32>,
    %gather3A_236 = tpu.vector_load_idx %arg22[%max3A_232] : memref<5120xf32, #tpu.memory_space<vmem>>[vector<16xi32>], vector<16xf32>,
    %gather3A_237 = tpu.vector_load_idx %arg23[%max3A_232] : memref<5120xi32, #tpu.memory_space<vmem>>[vector<16xi32>], vector<16xi32>,
    %ge3A_238 = arith.constant 0 : i32
    %ge3A_239 = vector.broadcast %ge3A_238 : i32 to vector<16xi32>
    %ge3A_240 = arith.cmpi sge, %get3A_229, %ge3A_239 : vector<16xi32>
    %get3A_241 = arith.constant 80 : index
    %get3A_242 = tpu.vector_load %arg25[%get3A_241] {strides = array<i32>} : memref<288xf32, #tpu.memory_space<vmem>>, vector<16xf32>,
    %sub3A_243 = arith.subf %gather3A_233, %get3A_242 : vector<16xf32>
    %get3A_244 = arith.constant 80 : index
    %get3A_245 = tpu.vector_load %arg27[%get3A_244] {strides = array<i32>} : memref<288xf32, #tpu.memory_space<vmem>>, vector<16xf32>,
    %div3A_246 = arith.divf %sub3A_243, %get3A_245 : vector<16xf32>
    %select_n3A_247 = arith.select %ge3A_240, %div3A_246, %broadcast_in_dim3A_3 : vector<16xi1>, vector<16xf32>
    %swap3A_248 = arith.constant 80 : index
    %swap3A_249 = tpu.vector_load %arg31[%swap3A_248] {strides = array<i32>} : memref<288xf32, #tpu.memory_space<vmem>>, vector<16xf32>,
    tpu.vector_store %arg31[%swap3A_248], %select_n3A_247 {strides = array<i32>} : memref<288xf32, #tpu.memory_space<vmem>>, vector<16xf32>,
    %get3A_250 = arith.constant 80 : index
    %get3A_251 = tpu.vector_load %arg26[%get3A_250] {strides = array<i32>} : memref<288xf32, #tpu.memory_space<vmem>>, vector<16xf32>,
    %sub3A_252 = arith.subf %gather3A_234, %get3A_251 : vector<16xf32>
    %get3A_253 = arith.constant 80 : index
    %get3A_254 = tpu.vector_load %arg28[%get3A_253] {strides = array<i32>} : memref<288xf32, #tpu.memory_space<vmem>>, vector<16xf32>,
    %div3A_255 = arith.divf %sub3A_252, %get3A_254 : vector<16xf32>
    %select_n3A_256 = arith.select %ge3A_240, %div3A_255, %broadcast_in_dim3A_3 : vector<16xi1>, vector<16xf32>
    %swap3A_257 = arith.constant 80 : index
    %swap3A_258 = tpu.vector_load %arg32[%swap3A_257] {strides = array<i32>} : memref<288xf32, #tpu.memory_space<vmem>>, vector<16xf32>,
    tpu.vector_store %arg32[%swap3A_257], %select_n3A_256 {strides = array<i32>} : memref<288xf32, #tpu.memory_space<vmem>>, vector<16xf32>,
    %get3A_259 = arith.constant 80 : index
    %get3A_260 = tpu.vector_load %arg29[%get3A_259] {strides = array<i32>} : memref<288xf32, #tpu.memory_space<vmem>>, vector<16xf32>,
    %sub3A_261 = arith.subf %gather3A_235, %get3A_260 : vector<16xf32>
    %select_n3A_262 = arith.select %ge3A_240, %sub3A_261, %broadcast_in_dim3A_3 : vector<16xi1>, vector<16xf32>
    %swap3A_263 = arith.constant 80 : index
    %swap3A_264 = tpu.vector_load %arg33[%swap3A_263] {strides = array<i32>} : memref<288xf32, #tpu.memory_space<vmem>>, vector<16xf32>,
    tpu.vector_store %arg33[%swap3A_263], %select_n3A_262 {strides = array<i32>} : memref<288xf32, #tpu.memory_space<vmem>>, vector<16xf32>,
    %get3A_265 = arith.constant 80 : index
    %get3A_266 = tpu.vector_load %arg30[%get3A_265] {strides = array<i32>} : memref<288xf32, #tpu.memory_space<vmem>>, vector<16xf32>,
    %sub3A_267 = arith.subf %gather3A_236, %get3A_266 : vector<16xf32>
    %select_n3A_268 = arith.select %ge3A_240, %sub3A_267, %broadcast_in_dim3A_3 : vector<16xi1>, vector<16xf32>
    %swap3A_269 = arith.constant 80 : index
    %swap3A_270 = tpu.vector_load %arg34[%swap3A_269] {strides = array<i32>} : memref<288xf32, #tpu.memory_space<vmem>>, vector<16xf32>,
    tpu.vector_store %arg34[%swap3A_269], %select_n3A_268 {strides = array<i32>} : memref<288xf32, #tpu.memory_space<vmem>>, vector<16xf32>,
    %select_n3A_271 = arith.select %ge3A_240, %gather3A_237, %broadcast_in_dim3A_5 : vector<16xi1>, vector<16xi32>
    %swap3A_272 = arith.constant 80 : index
    %swap3A_273 = tpu.vector_load %arg35[%swap3A_272] {strides = array<i32>} : memref<288xi32, #tpu.memory_space<vmem>>, vector<16xi32>,
    tpu.vector_store %arg35[%swap3A_272], %select_n3A_271 {strides = array<i32>} : memref<288xi32, #tpu.memory_space<vmem>>, vector<16xi32>,
    %get3A_274 = arith.constant 96 : index
    %get3A_275 = tpu.vector_load %arg24[%get3A_274] {strides = array<i32>} : memref<288xi32, #tpu.memory_space<vmem>>, vector<16xi32>,
    %max3A_276 = arith.constant 0 : i32
    %max3A_277 = vector.broadcast %max3A_276 : i32 to vector<16xi32>
    %max3A_278 = arith.maxsi %get3A_275, %max3A_277 : vector<16xi32>
    %gather3A_279 = tpu.vector_load_idx %arg19[%max3A_278] : memref<5120xf32, #tpu.memory_space<vmem>>[vector<16xi32>], vector<16xf32>,
    %gather3A_280 = tpu.vector_load_idx %arg20[%max3A_278] : memref<5120xf32, #tpu.memory_space<vmem>>[vector<16xi32>], vector<16xf32>,
    %gather3A_281 = tpu.vector_load_idx %arg21[%max3A_278] : memref<5120xf32, #tpu.memory_space<vmem>>[vector<16xi32>], vector<16xf32>,
    %gather3A_282 = tpu.vector_load_idx %arg22[%max3A_278] : memref<5120xf32, #tpu.memory_space<vmem>>[vector<16xi32>], vector<16xf32>,
    %gather3A_283 = tpu.vector_load_idx %arg23[%max3A_278] : memref<5120xi32, #tpu.memory_space<vmem>>[vector<16xi32>], vector<16xi32>,
    %ge3A_284 = arith.constant 0 : i32
    %ge3A_285 = vector.broadcast %ge3A_284 : i32 to vector<16xi32>
    %ge3A_286 = arith.cmpi sge, %get3A_275, %ge3A_285 : vector<16xi32>
    %get3A_287 = arith.constant 96 : index
    %get3A_288 = tpu.vector_load %arg25[%get3A_287] {strides = array<i32>} : memref<288xf32, #tpu.memory_space<vmem>>, vector<16xf32>,
    %sub3A_289 = arith.subf %gather3A_279, %get3A_288 : vector<16xf32>
    %get3A_290 = arith.constant 96 : index
    %get3A_291 = tpu.vector_load %arg27[%get3A_290] {strides = array<i32>} : memref<288xf32, #tpu.memory_space<vmem>>, vector<16xf32>,
    %div3A_292 = arith.divf %sub3A_289, %get3A_291 : vector<16xf32>
    %select_n3A_293 = arith.select %ge3A_286, %div3A_292, %broadcast_in_dim3A_3 : vector<16xi1>, vector<16xf32>
    %swap3A_294 = arith.constant 96 : index
    %swap3A_295 = tpu.vector_load %arg31[%swap3A_294] {strides = array<i32>} : memref<288xf32, #tpu.memory_space<vmem>>, vector<16xf32>,
    tpu.vector_store %arg31[%swap3A_294], %select_n3A_293 {strides = array<i32>} : memref<288xf32, #tpu.memory_space<vmem>>, vector<16xf32>,
    %get3A_296 = arith.constant 96 : index
    %get3A_297 = tpu.vector_load %arg26[%get3A_296] {strides = array<i32>} : memref<288xf32, #tpu.memory_space<vmem>>, vector<16xf32>,
    %sub3A_298 = arith.subf %gather3A_280, %get3A_297 : vector<16xf32>
    %get3A_299 = arith.constant 96 : index
    %get3A_300 = tpu.vector_load %arg28[%get3A_299] {strides = array<i32>} : memref<288xf32, #tpu.memory_space<vmem>>, vector<16xf32>,
    %div3A_301 = arith.divf %sub3A_298, %get3A_300 : vector<16xf32>
    %select_n3A_302 = arith.select %ge3A_286, %div3A_301, %broadcast_in_dim3A_3 : vector<16xi1>, vector<16xf32>
    %swap3A_303 = arith.constant 96 : index
    %swap3A_304 = tpu.vector_load %arg32[%swap3A_303] {strides = array<i32>} : memref<288xf32, #tpu.memory_space<vmem>>, vector<16xf32>,
    tpu.vector_store %arg32[%swap3A_303], %select_n3A_302 {strides = array<i32>} : memref<288xf32, #tpu.memory_space<vmem>>, vector<16xf32>,
    %get3A_305 = arith.constant 96 : index
    %get3A_306 = tpu.vector_load %arg29[%get3A_305] {strides = array<i32>} : memref<288xf32, #tpu.memory_space<vmem>>, vector<16xf32>,
    %sub3A_307 = arith.subf %gather3A_281, %get3A_306 : vector<16xf32>
    %select_n3A_308 = arith.select %ge3A_286, %sub3A_307, %broadcast_in_dim3A_3 : vector<16xi1>, vector<16xf32>
    %swap3A_309 = arith.constant 96 : index
    %swap3A_310 = tpu.vector_load %arg33[%swap3A_309] {strides = array<i32>} : memref<288xf32, #tpu.memory_space<vmem>>, vector<16xf32>,
    tpu.vector_store %arg33[%swap3A_309], %select_n3A_308 {strides = array<i32>} : memref<288xf32, #tpu.memory_space<vmem>>, vector<16xf32>,
    %get3A_311 = arith.constant 96 : index
    %get3A_312 = tpu.vector_load %arg30[%get3A_311] {strides = array<i32>} : memref<288xf32, #tpu.memory_space<vmem>>, vector<16xf32>,
    %sub3A_313 = arith.subf %gather3A_282, %get3A_312 : vector<16xf32>
    %select_n3A_314 = arith.select %ge3A_286, %sub3A_313, %broadcast_in_dim3A_3 : vector<16xi1>, vector<16xf32>
    %swap3A_315 = arith.constant 96 : index
    %swap3A_316 = tpu.vector_load %arg34[%swap3A_315] {strides = array<i32>} : memref<288xf32, #tpu.memory_space<vmem>>, vector<16xf32>,
    tpu.vector_store %arg34[%swap3A_315], %select_n3A_314 {strides = array<i32>} : memref<288xf32, #tpu.memory_space<vmem>>, vector<16xf32>,
    %select_n3A_317 = arith.select %ge3A_286, %gather3A_283, %broadcast_in_dim3A_5 : vector<16xi1>, vector<16xi32>
    %swap3A_318 = arith.constant 96 : index
    %swap3A_319 = tpu.vector_load %arg35[%swap3A_318] {strides = array<i32>} : memref<288xi32, #tpu.memory_space<vmem>>, vector<16xi32>,
    tpu.vector_store %arg35[%swap3A_318], %select_n3A_317 {strides = array<i32>} : memref<288xi32, #tpu.memory_space<vmem>>, vector<16xi32>,
    %get3A_320 = arith.constant 112 : index
    %get3A_321 = tpu.vector_load %arg24[%get3A_320] {strides = array<i32>} : memref<288xi32, #tpu.memory_space<vmem>>, vector<16xi32>,
    %max3A_322 = arith.constant 0 : i32
    %max3A_323 = vector.broadcast %max3A_322 : i32 to vector<16xi32>
    %max3A_324 = arith.maxsi %get3A_321, %max3A_323 : vector<16xi32>
    %gather3A_325 = tpu.vector_load_idx %arg19[%max3A_324] : memref<5120xf32, #tpu.memory_space<vmem>>[vector<16xi32>], vector<16xf32>,
    %gather3A_326 = tpu.vector_load_idx %arg20[%max3A_324] : memref<5120xf32, #tpu.memory_space<vmem>>[vector<16xi32>], vector<16xf32>,
    %gather3A_327 = tpu.vector_load_idx %arg21[%max3A_324] : memref<5120xf32, #tpu.memory_space<vmem>>[vector<16xi32>], vector<16xf32>,
    %gather3A_328 = tpu.vector_load_idx %arg22[%max3A_324] : memref<5120xf32, #tpu.memory_space<vmem>>[vector<16xi32>], vector<16xf32>,
    %gather3A_329 = tpu.vector_load_idx %arg23[%max3A_324] : memref<5120xi32, #tpu.memory_space<vmem>>[vector<16xi32>], vector<16xi32>,
    %ge3A_330 = arith.constant 0 : i32
    %ge3A_331 = vector.broadcast %ge3A_330 : i32 to vector<16xi32>
    %ge3A_332 = arith.cmpi sge, %get3A_321, %ge3A_331 : vector<16xi32>
    %get3A_333 = arith.constant 112 : index
    %get3A_334 = tpu.vector_load %arg25[%get3A_333] {strides = array<i32>} : memref<288xf32, #tpu.memory_space<vmem>>, vector<16xf32>,
    %sub3A_335 = arith.subf %gather3A_325, %get3A_334 : vector<16xf32>
    %get3A_336 = arith.constant 112 : index
    %get3A_337 = tpu.vector_load %arg27[%get3A_336] {strides = array<i32>} : memref<288xf32, #tpu.memory_space<vmem>>, vector<16xf32>,
    %div3A_338 = arith.divf %sub3A_335, %get3A_337 : vector<16xf32>
    %select_n3A_339 = arith.select %ge3A_332, %div3A_338, %broadcast_in_dim3A_3 : vector<16xi1>, vector<16xf32>
    %swap3A_340 = arith.constant 112 : index
    %swap3A_341 = tpu.vector_load %arg31[%swap3A_340] {strides = array<i32>} : memref<288xf32, #tpu.memory_space<vmem>>, vector<16xf32>,
    tpu.vector_store %arg31[%swap3A_340], %select_n3A_339 {strides = array<i32>} : memref<288xf32, #tpu.memory_space<vmem>>, vector<16xf32>,
    %get3A_342 = arith.constant 112 : index
    %get3A_343 = tpu.vector_load %arg26[%get3A_342] {strides = array<i32>} : memref<288xf32, #tpu.memory_space<vmem>>, vector<16xf32>,
    %sub3A_344 = arith.subf %gather3A_326, %get3A_343 : vector<16xf32>
    %get3A_345 = arith.constant 112 : index
    %get3A_346 = tpu.vector_load %arg28[%get3A_345] {strides = array<i32>} : memref<288xf32, #tpu.memory_space<vmem>>, vector<16xf32>,
    %div3A_347 = arith.divf %sub3A_344, %get3A_346 : vector<16xf32>
    %select_n3A_348 = arith.select %ge3A_332, %div3A_347, %broadcast_in_dim3A_3 : vector<16xi1>, vector<16xf32>
    %swap3A_349 = arith.constant 112 : index
    %swap3A_350 = tpu.vector_load %arg32[%swap3A_349] {strides = array<i32>} : memref<288xf32, #tpu.memory_space<vmem>>, vector<16xf32>,
    tpu.vector_store %arg32[%swap3A_349], %select_n3A_348 {strides = array<i32>} : memref<288xf32, #tpu.memory_space<vmem>>, vector<16xf32>,
    %get3A_351 = arith.constant 112 : index
    %get3A_352 = tpu.vector_load %arg29[%get3A_351] {strides = array<i32>} : memref<288xf32, #tpu.memory_space<vmem>>, vector<16xf32>,
    %sub3A_353 = arith.subf %gather3A_327, %get3A_352 : vector<16xf32>
    %select_n3A_354 = arith.select %ge3A_332, %sub3A_353, %broadcast_in_dim3A_3 : vector<16xi1>, vector<16xf32>
    %swap3A_355 = arith.constant 112 : index
    %swap3A_356 = tpu.vector_load %arg33[%swap3A_355] {strides = array<i32>} : memref<288xf32, #tpu.memory_space<vmem>>, vector<16xf32>,
    tpu.vector_store %arg33[%swap3A_355], %select_n3A_354 {strides = array<i32>} : memref<288xf32, #tpu.memory_space<vmem>>, vector<16xf32>,
    %get3A_357 = arith.constant 112 : index
    %get3A_358 = tpu.vector_load %arg30[%get3A_357] {strides = array<i32>} : memref<288xf32, #tpu.memory_space<vmem>>, vector<16xf32>,
    %sub3A_359 = arith.subf %gather3A_328, %get3A_358 : vector<16xf32>
    %select_n3A_360 = arith.select %ge3A_332, %sub3A_359, %broadcast_in_dim3A_3 : vector<16xi1>, vector<16xf32>
    %swap3A_361 = arith.constant 112 : index
    %swap3A_362 = tpu.vector_load %arg34[%swap3A_361] {strides = array<i32>} : memref<288xf32, #tpu.memory_space<vmem>>, vector<16xf32>,
    tpu.vector_store %arg34[%swap3A_361], %select_n3A_360 {strides = array<i32>} : memref<288xf32, #tpu.memory_space<vmem>>, vector<16xf32>,
    %select_n3A_363 = arith.select %ge3A_332, %gather3A_329, %broadcast_in_dim3A_5 : vector<16xi1>, vector<16xi32>
    %swap3A_364 = arith.constant 112 : index
    %swap3A_365 = tpu.vector_load %arg35[%swap3A_364] {strides = array<i32>} : memref<288xi32, #tpu.memory_space<vmem>>, vector<16xi32>,
    tpu.vector_store %arg35[%swap3A_364], %select_n3A_363 {strides = array<i32>} : memref<288xi32, #tpu.memory_space<vmem>>, vector<16xi32>,
    %get3A_366 = arith.constant 128 : index
    %get3A_367 = tpu.vector_load %arg24[%get3A_366] {strides = array<i32>} : memref<288xi32, #tpu.memory_space<vmem>>, vector<16xi32>,
    %max3A_368 = arith.constant 0 : i32
    %max3A_369 = vector.broadcast %max3A_368 : i32 to vector<16xi32>
    %max3A_370 = arith.maxsi %get3A_367, %max3A_369 : vector<16xi32>
    %gather3A_371 = tpu.vector_load_idx %arg19[%max3A_370] : memref<5120xf32, #tpu.memory_space<vmem>>[vector<16xi32>], vector<16xf32>,
    %gather3A_372 = tpu.vector_load_idx %arg20[%max3A_370] : memref<5120xf32, #tpu.memory_space<vmem>>[vector<16xi32>], vector<16xf32>,
    %gather3A_373 = tpu.vector_load_idx %arg21[%max3A_370] : memref<5120xf32, #tpu.memory_space<vmem>>[vector<16xi32>], vector<16xf32>,
    %gather3A_374 = tpu.vector_load_idx %arg22[%max3A_370] : memref<5120xf32, #tpu.memory_space<vmem>>[vector<16xi32>], vector<16xf32>,
    %gather3A_375 = tpu.vector_load_idx %arg23[%max3A_370] : memref<5120xi32, #tpu.memory_space<vmem>>[vector<16xi32>], vector<16xi32>,
    %ge3A_376 = arith.constant 0 : i32
    %ge3A_377 = vector.broadcast %ge3A_376 : i32 to vector<16xi32>
    %ge3A_378 = arith.cmpi sge, %get3A_367, %ge3A_377 : vector<16xi32>
    %get3A_379 = arith.constant 128 : index
    %get3A_380 = tpu.vector_load %arg25[%get3A_379] {strides = array<i32>} : memref<288xf32, #tpu.memory_space<vmem>>, vector<16xf32>,
    %sub3A_381 = arith.subf %gather3A_371, %get3A_380 : vector<16xf32>
    %get3A_382 = arith.constant 128 : index
    %get3A_383 = tpu.vector_load %arg27[%get3A_382] {strides = array<i32>} : memref<288xf32, #tpu.memory_space<vmem>>, vector<16xf32>,
    %div3A_384 = arith.divf %sub3A_381, %get3A_383 : vector<16xf32>
    %select_n3A_385 = arith.select %ge3A_378, %div3A_384, %broadcast_in_dim3A_3 : vector<16xi1>, vector<16xf32>
    %swap3A_386 = arith.constant 128 : index
    %swap3A_387 = tpu.vector_load %arg31[%swap3A_386] {strides = array<i32>} : memref<288xf32, #tpu.memory_space<vmem>>, vector<16xf32>,
    tpu.vector_store %arg31[%swap3A_386], %select_n3A_385 {strides = array<i32>} : memref<288xf32, #tpu.memory_space<vmem>>, vector<16xf32>,
    %get3A_388 = arith.constant 128 : index
    %get3A_389 = tpu.vector_load %arg26[%get3A_388] {strides = array<i32>} : memref<288xf32, #tpu.memory_space<vmem>>, vector<16xf32>,
    %sub3A_390 = arith.subf %gather3A_372, %get3A_389 : vector<16xf32>
    %get3A_391 = arith.constant 128 : index
    %get3A_392 = tpu.vector_load %arg28[%get3A_391] {strides = array<i32>} : memref<288xf32, #tpu.memory_space<vmem>>, vector<16xf32>,
    %div3A_393 = arith.divf %sub3A_390, %get3A_392 : vector<16xf32>
    %select_n3A_394 = arith.select %ge3A_378, %div3A_393, %broadcast_in_dim3A_3 : vector<16xi1>, vector<16xf32>
    %swap3A_395 = arith.constant 128 : index
    %swap3A_396 = tpu.vector_load %arg32[%swap3A_395] {strides = array<i32>} : memref<288xf32, #tpu.memory_space<vmem>>, vector<16xf32>,
    tpu.vector_store %arg32[%swap3A_395], %select_n3A_394 {strides = array<i32>} : memref<288xf32, #tpu.memory_space<vmem>>, vector<16xf32>,
    %get3A_397 = arith.constant 128 : index
    %get3A_398 = tpu.vector_load %arg29[%get3A_397] {strides = array<i32>} : memref<288xf32, #tpu.memory_space<vmem>>, vector<16xf32>,
    %sub3A_399 = arith.subf %gather3A_373, %get3A_398 : vector<16xf32>
    %select_n3A_400 = arith.select %ge3A_378, %sub3A_399, %broadcast_in_dim3A_3 : vector<16xi1>, vector<16xf32>
    %swap3A_401 = arith.constant 128 : index
    %swap3A_402 = tpu.vector_load %arg33[%swap3A_401] {strides = array<i32>} : memref<288xf32, #tpu.memory_space<vmem>>, vector<16xf32>,
    tpu.vector_store %arg33[%swap3A_401], %select_n3A_400 {strides = array<i32>} : memref<288xf32, #tpu.memory_space<vmem>>, vector<16xf32>,
    %get3A_403 = arith.constant 128 : index
    %get3A_404 = tpu.vector_load %arg30[%get3A_403] {strides = array<i32>} : memref<288xf32, #tpu.memory_space<vmem>>, vector<16xf32>,
    %sub3A_405 = arith.subf %gather3A_374, %get3A_404 : vector<16xf32>
    %select_n3A_406 = arith.select %ge3A_378, %sub3A_405, %broadcast_in_dim3A_3 : vector<16xi1>, vector<16xf32>
    %swap3A_407 = arith.constant 128 : index
    %swap3A_408 = tpu.vector_load %arg34[%swap3A_407] {strides = array<i32>} : memref<288xf32, #tpu.memory_space<vmem>>, vector<16xf32>,
    tpu.vector_store %arg34[%swap3A_407], %select_n3A_406 {strides = array<i32>} : memref<288xf32, #tpu.memory_space<vmem>>, vector<16xf32>,
    %select_n3A_409 = arith.select %ge3A_378, %gather3A_375, %broadcast_in_dim3A_5 : vector<16xi1>, vector<16xi32>
    %swap3A_410 = arith.constant 128 : index
    %swap3A_411 = tpu.vector_load %arg35[%swap3A_410] {strides = array<i32>} : memref<288xi32, #tpu.memory_space<vmem>>, vector<16xi32>,
    tpu.vector_store %arg35[%swap3A_410], %select_n3A_409 {strides = array<i32>} : memref<288xi32, #tpu.memory_space<vmem>>, vector<16xi32>,
    %get3A_412 = arith.constant 144 : index
    %get3A_413 = tpu.vector_load %arg24[%get3A_412] {strides = array<i32>} : memref<288xi32, #tpu.memory_space<vmem>>, vector<16xi32>,
    %max3A_414 = arith.constant 0 : i32
    %max3A_415 = vector.broadcast %max3A_414 : i32 to vector<16xi32>
    %max3A_416 = arith.maxsi %get3A_413, %max3A_415 : vector<16xi32>
    %gather3A_417 = tpu.vector_load_idx %arg19[%max3A_416] : memref<5120xf32, #tpu.memory_space<vmem>>[vector<16xi32>], vector<16xf32>,
    %gather3A_418 = tpu.vector_load_idx %arg20[%max3A_416] : memref<5120xf32, #tpu.memory_space<vmem>>[vector<16xi32>], vector<16xf32>,
    %gather3A_419 = tpu.vector_load_idx %arg21[%max3A_416] : memref<5120xf32, #tpu.memory_space<vmem>>[vector<16xi32>], vector<16xf32>,
    %gather3A_420 = tpu.vector_load_idx %arg22[%max3A_416] : memref<5120xf32, #tpu.memory_space<vmem>>[vector<16xi32>], vector<16xf32>,
    %gather3A_421 = tpu.vector_load_idx %arg23[%max3A_416] : memref<5120xi32, #tpu.memory_space<vmem>>[vector<16xi32>], vector<16xi32>,
    %ge3A_422 = arith.constant 0 : i32
    %ge3A_423 = vector.broadcast %ge3A_422 : i32 to vector<16xi32>
    %ge3A_424 = arith.cmpi sge, %get3A_413, %ge3A_423 : vector<16xi32>
    %get3A_425 = arith.constant 144 : index
    %get3A_426 = tpu.vector_load %arg25[%get3A_425] {strides = array<i32>} : memref<288xf32, #tpu.memory_space<vmem>>, vector<16xf32>,
    %sub3A_427 = arith.subf %gather3A_417, %get3A_426 : vector<16xf32>
    %get3A_428 = arith.constant 144 : index
    %get3A_429 = tpu.vector_load %arg27[%get3A_428] {strides = array<i32>} : memref<288xf32, #tpu.memory_space<vmem>>, vector<16xf32>,
    %div3A_430 = arith.divf %sub3A_427, %get3A_429 : vector<16xf32>
    %select_n3A_431 = arith.select %ge3A_424, %div3A_430, %broadcast_in_dim3A_3 : vector<16xi1>, vector<16xf32>
    %swap3A_432 = arith.constant 144 : index
    %swap3A_433 = tpu.vector_load %arg31[%swap3A_432] {strides = array<i32>} : memref<288xf32, #tpu.memory_space<vmem>>, vector<16xf32>,
    tpu.vector_store %arg31[%swap3A_432], %select_n3A_431 {strides = array<i32>} : memref<288xf32, #tpu.memory_space<vmem>>, vector<16xf32>,
    %get3A_434 = arith.constant 144 : index
    %get3A_435 = tpu.vector_load %arg26[%get3A_434] {strides = array<i32>} : memref<288xf32, #tpu.memory_space<vmem>>, vector<16xf32>,
    %sub3A_436 = arith.subf %gather3A_418, %get3A_435 : vector<16xf32>
    %get3A_437 = arith.constant 144 : index
    %get3A_438 = tpu.vector_load %arg28[%get3A_437] {strides = array<i32>} : memref<288xf32, #tpu.memory_space<vmem>>, vector<16xf32>,
    %div3A_439 = arith.divf %sub3A_436, %get3A_438 : vector<16xf32>
    %select_n3A_440 = arith.select %ge3A_424, %div3A_439, %broadcast_in_dim3A_3 : vector<16xi1>, vector<16xf32>
    %swap3A_441 = arith.constant 144 : index
    %swap3A_442 = tpu.vector_load %arg32[%swap3A_441] {strides = array<i32>} : memref<288xf32, #tpu.memory_space<vmem>>, vector<16xf32>,
    tpu.vector_store %arg32[%swap3A_441], %select_n3A_440 {strides = array<i32>} : memref<288xf32, #tpu.memory_space<vmem>>, vector<16xf32>,
    %get3A_443 = arith.constant 144 : index
    %get3A_444 = tpu.vector_load %arg29[%get3A_443] {strides = array<i32>} : memref<288xf32, #tpu.memory_space<vmem>>, vector<16xf32>,
    %sub3A_445 = arith.subf %gather3A_419, %get3A_444 : vector<16xf32>
    %select_n3A_446 = arith.select %ge3A_424, %sub3A_445, %broadcast_in_dim3A_3 : vector<16xi1>, vector<16xf32>
    %swap3A_447 = arith.constant 144 : index
    %swap3A_448 = tpu.vector_load %arg33[%swap3A_447] {strides = array<i32>} : memref<288xf32, #tpu.memory_space<vmem>>, vector<16xf32>,
    tpu.vector_store %arg33[%swap3A_447], %select_n3A_446 {strides = array<i32>} : memref<288xf32, #tpu.memory_space<vmem>>, vector<16xf32>,
    %get3A_449 = arith.constant 144 : index
    %get3A_450 = tpu.vector_load %arg30[%get3A_449] {strides = array<i32>} : memref<288xf32, #tpu.memory_space<vmem>>, vector<16xf32>,
    %sub3A_451 = arith.subf %gather3A_420, %get3A_450 : vector<16xf32>
    %select_n3A_452 = arith.select %ge3A_424, %sub3A_451, %broadcast_in_dim3A_3 : vector<16xi1>, vector<16xf32>
    %swap3A_453 = arith.constant 144 : index
    %swap3A_454 = tpu.vector_load %arg34[%swap3A_453] {strides = array<i32>} : memref<288xf32, #tpu.memory_space<vmem>>, vector<16xf32>,
    tpu.vector_store %arg34[%swap3A_453], %select_n3A_452 {strides = array<i32>} : memref<288xf32, #tpu.memory_space<vmem>>, vector<16xf32>,
    %select_n3A_455 = arith.select %ge3A_424, %gather3A_421, %broadcast_in_dim3A_5 : vector<16xi1>, vector<16xi32>
    %swap3A_456 = arith.constant 144 : index
    %swap3A_457 = tpu.vector_load %arg35[%swap3A_456] {strides = array<i32>} : memref<288xi32, #tpu.memory_space<vmem>>, vector<16xi32>,
    tpu.vector_store %arg35[%swap3A_456], %select_n3A_455 {strides = array<i32>} : memref<288xi32, #tpu.memory_space<vmem>>, vector<16xi32>,
    %get3A_458 = arith.constant 160 : index
    %get3A_459 = tpu.vector_load %arg24[%get3A_458] {strides = array<i32>} : memref<288xi32, #tpu.memory_space<vmem>>, vector<16xi32>,
    %max3A_460 = arith.constant 0 : i32
    %max3A_461 = vector.broadcast %max3A_460 : i32 to vector<16xi32>
    %max3A_462 = arith.maxsi %get3A_459, %max3A_461 : vector<16xi32>
    %gather3A_463 = tpu.vector_load_idx %arg19[%max3A_462] : memref<5120xf32, #tpu.memory_space<vmem>>[vector<16xi32>], vector<16xf32>,
    %gather3A_464 = tpu.vector_load_idx %arg20[%max3A_462] : memref<5120xf32, #tpu.memory_space<vmem>>[vector<16xi32>], vector<16xf32>,
    %gather3A_465 = tpu.vector_load_idx %arg21[%max3A_462] : memref<5120xf32, #tpu.memory_space<vmem>>[vector<16xi32>], vector<16xf32>,
    %gather3A_466 = tpu.vector_load_idx %arg22[%max3A_462] : memref<5120xf32, #tpu.memory_space<vmem>>[vector<16xi32>], vector<16xf32>,
    %gather3A_467 = tpu.vector_load_idx %arg23[%max3A_462] : memref<5120xi32, #tpu.memory_space<vmem>>[vector<16xi32>], vector<16xi32>,
    %ge3A_468 = arith.constant 0 : i32
    %ge3A_469 = vector.broadcast %ge3A_468 : i32 to vector<16xi32>
    %ge3A_470 = arith.cmpi sge, %get3A_459, %ge3A_469 : vector<16xi32>
    %get3A_471 = arith.constant 160 : index
    %get3A_472 = tpu.vector_load %arg25[%get3A_471] {strides = array<i32>} : memref<288xf32, #tpu.memory_space<vmem>>, vector<16xf32>,
    %sub3A_473 = arith.subf %gather3A_463, %get3A_472 : vector<16xf32>
    %get3A_474 = arith.constant 160 : index
    %get3A_475 = tpu.vector_load %arg27[%get3A_474] {strides = array<i32>} : memref<288xf32, #tpu.memory_space<vmem>>, vector<16xf32>,
    %div3A_476 = arith.divf %sub3A_473, %get3A_475 : vector<16xf32>
    %select_n3A_477 = arith.select %ge3A_470, %div3A_476, %broadcast_in_dim3A_3 : vector<16xi1>, vector<16xf32>
    %swap3A_478 = arith.constant 160 : index
    %swap3A_479 = tpu.vector_load %arg31[%swap3A_478] {strides = array<i32>} : memref<288xf32, #tpu.memory_space<vmem>>, vector<16xf32>,
    tpu.vector_store %arg31[%swap3A_478], %select_n3A_477 {strides = array<i32>} : memref<288xf32, #tpu.memory_space<vmem>>, vector<16xf32>,
    %get3A_480 = arith.constant 160 : index
    %get3A_481 = tpu.vector_load %arg26[%get3A_480] {strides = array<i32>} : memref<288xf32, #tpu.memory_space<vmem>>, vector<16xf32>,
    %sub3A_482 = arith.subf %gather3A_464, %get3A_481 : vector<16xf32>
    %get3A_483 = arith.constant 160 : index
    %get3A_484 = tpu.vector_load %arg28[%get3A_483] {strides = array<i32>} : memref<288xf32, #tpu.memory_space<vmem>>, vector<16xf32>,
    %div3A_485 = arith.divf %sub3A_482, %get3A_484 : vector<16xf32>
    %select_n3A_486 = arith.select %ge3A_470, %div3A_485, %broadcast_in_dim3A_3 : vector<16xi1>, vector<16xf32>
    %swap3A_487 = arith.constant 160 : index
    %swap3A_488 = tpu.vector_load %arg32[%swap3A_487] {strides = array<i32>} : memref<288xf32, #tpu.memory_space<vmem>>, vector<16xf32>,
    tpu.vector_store %arg32[%swap3A_487], %select_n3A_486 {strides = array<i32>} : memref<288xf32, #tpu.memory_space<vmem>>, vector<16xf32>,
    %get3A_489 = arith.constant 160 : index
    %get3A_490 = tpu.vector_load %arg29[%get3A_489] {strides = array<i32>} : memref<288xf32, #tpu.memory_space<vmem>>, vector<16xf32>,
    %sub3A_491 = arith.subf %gather3A_465, %get3A_490 : vector<16xf32>
    %select_n3A_492 = arith.select %ge3A_470, %sub3A_491, %broadcast_in_dim3A_3 : vector<16xi1>, vector<16xf32>
    %swap3A_493 = arith.constant 160 : index
    %swap3A_494 = tpu.vector_load %arg33[%swap3A_493] {strides = array<i32>} : memref<288xf32, #tpu.memory_space<vmem>>, vector<16xf32>,
    tpu.vector_store %arg33[%swap3A_493], %select_n3A_492 {strides = array<i32>} : memref<288xf32, #tpu.memory_space<vmem>>, vector<16xf32>,
    %get3A_495 = arith.constant 160 : index
    %get3A_496 = tpu.vector_load %arg30[%get3A_495] {strides = array<i32>} : memref<288xf32, #tpu.memory_space<vmem>>, vector<16xf32>,
    %sub3A_497 = arith.subf %gather3A_466, %get3A_496 : vector<16xf32>
    %select_n3A_498 = arith.select %ge3A_470, %sub3A_497, %broadcast_in_dim3A_3 : vector<16xi1>, vector<16xf32>
    %swap3A_499 = arith.constant 160 : index
    %swap3A_500 = tpu.vector_load %arg34[%swap3A_499] {strides = array<i32>} : memref<288xf32, #tpu.memory_space<vmem>>, vector<16xf32>,
    tpu.vector_store %arg34[%swap3A_499], %select_n3A_498 {strides = array<i32>} : memref<288xf32, #tpu.memory_space<vmem>>, vector<16xf32>,
    %select_n3A_501 = arith.select %ge3A_470, %gather3A_467, %broadcast_in_dim3A_5 : vector<16xi1>, vector<16xi32>
    %swap3A_502 = arith.constant 160 : index
    %swap3A_503 = tpu.vector_load %arg35[%swap3A_502] {strides = array<i32>} : memref<288xi32, #tpu.memory_space<vmem>>, vector<16xi32>,
    tpu.vector_store %arg35[%swap3A_502], %select_n3A_501 {strides = array<i32>} : memref<288xi32, #tpu.memory_space<vmem>>, vector<16xi32>,
    %get3A_504 = arith.constant 176 : index
    %get3A_505 = tpu.vector_load %arg24[%get3A_504] {strides = array<i32>} : memref<288xi32, #tpu.memory_space<vmem>>, vector<16xi32>,
    %max3A_506 = arith.constant 0 : i32
    %max3A_507 = vector.broadcast %max3A_506 : i32 to vector<16xi32>
    %max3A_508 = arith.maxsi %get3A_505, %max3A_507 : vector<16xi32>
    %gather3A_509 = tpu.vector_load_idx %arg19[%max3A_508] : memref<5120xf32, #tpu.memory_space<vmem>>[vector<16xi32>], vector<16xf32>,
    %gather3A_510 = tpu.vector_load_idx %arg20[%max3A_508] : memref<5120xf32, #tpu.memory_space<vmem>>[vector<16xi32>], vector<16xf32>,
    %gather3A_511 = tpu.vector_load_idx %arg21[%max3A_508] : memref<5120xf32, #tpu.memory_space<vmem>>[vector<16xi32>], vector<16xf32>,
    %gather3A_512 = tpu.vector_load_idx %arg22[%max3A_508] : memref<5120xf32, #tpu.memory_space<vmem>>[vector<16xi32>], vector<16xf32>,
    %gather3A_513 = tpu.vector_load_idx %arg23[%max3A_508] : memref<5120xi32, #tpu.memory_space<vmem>>[vector<16xi32>], vector<16xi32>,
    %ge3A_514 = arith.constant 0 : i32
    %ge3A_515 = vector.broadcast %ge3A_514 : i32 to vector<16xi32>
    %ge3A_516 = arith.cmpi sge, %get3A_505, %ge3A_515 : vector<16xi32>
    %get3A_517 = arith.constant 176 : index
    %get3A_518 = tpu.vector_load %arg25[%get3A_517] {strides = array<i32>} : memref<288xf32, #tpu.memory_space<vmem>>, vector<16xf32>,
    %sub3A_519 = arith.subf %gather3A_509, %get3A_518 : vector<16xf32>
    %get3A_520 = arith.constant 176 : index
    %get3A_521 = tpu.vector_load %arg27[%get3A_520] {strides = array<i32>} : memref<288xf32, #tpu.memory_space<vmem>>, vector<16xf32>,
    %div3A_522 = arith.divf %sub3A_519, %get3A_521 : vector<16xf32>
    %select_n3A_523 = arith.select %ge3A_516, %div3A_522, %broadcast_in_dim3A_3 : vector<16xi1>, vector<16xf32>
    %swap3A_524 = arith.constant 176 : index
    %swap3A_525 = tpu.vector_load %arg31[%swap3A_524] {strides = array<i32>} : memref<288xf32, #tpu.memory_space<vmem>>, vector<16xf32>,
    tpu.vector_store %arg31[%swap3A_524], %select_n3A_523 {strides = array<i32>} : memref<288xf32, #tpu.memory_space<vmem>>, vector<16xf32>,
    %get3A_526 = arith.constant 176 : index
    %get3A_527 = tpu.vector_load %arg26[%get3A_526] {strides = array<i32>} : memref<288xf32, #tpu.memory_space<vmem>>, vector<16xf32>,
    %sub3A_528 = arith.subf %gather3A_510, %get3A_527 : vector<16xf32>
    %get3A_529 = arith.constant 176 : index
    %get3A_530 = tpu.vector_load %arg28[%get3A_529] {strides = array<i32>} : memref<288xf32, #tpu.memory_space<vmem>>, vector<16xf32>,
    %div3A_531 = arith.divf %sub3A_528, %get3A_530 : vector<16xf32>
    %select_n3A_532 = arith.select %ge3A_516, %div3A_531, %broadcast_in_dim3A_3 : vector<16xi1>, vector<16xf32>
    %swap3A_533 = arith.constant 176 : index
    %swap3A_534 = tpu.vector_load %arg32[%swap3A_533] {strides = array<i32>} : memref<288xf32, #tpu.memory_space<vmem>>, vector<16xf32>,
    tpu.vector_store %arg32[%swap3A_533], %select_n3A_532 {strides = array<i32>} : memref<288xf32, #tpu.memory_space<vmem>>, vector<16xf32>,
    %get3A_535 = arith.constant 176 : index
    %get3A_536 = tpu.vector_load %arg29[%get3A_535] {strides = array<i32>} : memref<288xf32, #tpu.memory_space<vmem>>, vector<16xf32>,
    %sub3A_537 = arith.subf %gather3A_511, %get3A_536 : vector<16xf32>
    %select_n3A_538 = arith.select %ge3A_516, %sub3A_537, %broadcast_in_dim3A_3 : vector<16xi1>, vector<16xf32>
    %swap3A_539 = arith.constant 176 : index
    %swap3A_540 = tpu.vector_load %arg33[%swap3A_539] {strides = array<i32>} : memref<288xf32, #tpu.memory_space<vmem>>, vector<16xf32>,
    tpu.vector_store %arg33[%swap3A_539], %select_n3A_538 {strides = array<i32>} : memref<288xf32, #tpu.memory_space<vmem>>, vector<16xf32>,
    %get3A_541 = arith.constant 176 : index
    %get3A_542 = tpu.vector_load %arg30[%get3A_541] {strides = array<i32>} : memref<288xf32, #tpu.memory_space<vmem>>, vector<16xf32>,
    %sub3A_543 = arith.subf %gather3A_512, %get3A_542 : vector<16xf32>
    %select_n3A_544 = arith.select %ge3A_516, %sub3A_543, %broadcast_in_dim3A_3 : vector<16xi1>, vector<16xf32>
    %swap3A_545 = arith.constant 176 : index
    %swap3A_546 = tpu.vector_load %arg34[%swap3A_545] {strides = array<i32>} : memref<288xf32, #tpu.memory_space<vmem>>, vector<16xf32>,
    tpu.vector_store %arg34[%swap3A_545], %select_n3A_544 {strides = array<i32>} : memref<288xf32, #tpu.memory_space<vmem>>, vector<16xf32>,
    %select_n3A_547 = arith.select %ge3A_516, %gather3A_513, %broadcast_in_dim3A_5 : vector<16xi1>, vector<16xi32>
    %swap3A_548 = arith.constant 176 : index
    %swap3A_549 = tpu.vector_load %arg35[%swap3A_548] {strides = array<i32>} : memref<288xi32, #tpu.memory_space<vmem>>, vector<16xi32>,
    tpu.vector_store %arg35[%swap3A_548], %select_n3A_547 {strides = array<i32>} : memref<288xi32, #tpu.memory_space<vmem>>, vector<16xi32>,
    %get3A_550 = arith.constant 192 : index
    %get3A_551 = tpu.vector_load %arg24[%get3A_550] {strides = array<i32>} : memref<288xi32, #tpu.memory_space<vmem>>, vector<16xi32>,
    %max3A_552 = arith.constant 0 : i32
    %max3A_553 = vector.broadcast %max3A_552 : i32 to vector<16xi32>
    %max3A_554 = arith.maxsi %get3A_551, %max3A_553 : vector<16xi32>
    %gather3A_555 = tpu.vector_load_idx %arg19[%max3A_554] : memref<5120xf32, #tpu.memory_space<vmem>>[vector<16xi32>], vector<16xf32>,
    %gather3A_556 = tpu.vector_load_idx %arg20[%max3A_554] : memref<5120xf32, #tpu.memory_space<vmem>>[vector<16xi32>], vector<16xf32>,
    %gather3A_557 = tpu.vector_load_idx %arg21[%max3A_554] : memref<5120xf32, #tpu.memory_space<vmem>>[vector<16xi32>], vector<16xf32>,
    %gather3A_558 = tpu.vector_load_idx %arg22[%max3A_554] : memref<5120xf32, #tpu.memory_space<vmem>>[vector<16xi32>], vector<16xf32>,
    %gather3A_559 = tpu.vector_load_idx %arg23[%max3A_554] : memref<5120xi32, #tpu.memory_space<vmem>>[vector<16xi32>], vector<16xi32>,
    %ge3A_560 = arith.constant 0 : i32
    %ge3A_561 = vector.broadcast %ge3A_560 : i32 to vector<16xi32>
    %ge3A_562 = arith.cmpi sge, %get3A_551, %ge3A_561 : vector<16xi32>
    %get3A_563 = arith.constant 192 : index
    %get3A_564 = tpu.vector_load %arg25[%get3A_563] {strides = array<i32>} : memref<288xf32, #tpu.memory_space<vmem>>, vector<16xf32>,
    %sub3A_565 = arith.subf %gather3A_555, %get3A_564 : vector<16xf32>
    %get3A_566 = arith.constant 192 : index
    %get3A_567 = tpu.vector_load %arg27[%get3A_566] {strides = array<i32>} : memref<288xf32, #tpu.memory_space<vmem>>, vector<16xf32>,
    %div3A_568 = arith.divf %sub3A_565, %get3A_567 : vector<16xf32>
    %select_n3A_569 = arith.select %ge3A_562, %div3A_568, %broadcast_in_dim3A_3 : vector<16xi1>, vector<16xf32>
    %swap3A_570 = arith.constant 192 : index
    %swap3A_571 = tpu.vector_load %arg31[%swap3A_570] {strides = array<i32>} : memref<288xf32, #tpu.memory_space<vmem>>, vector<16xf32>,
    tpu.vector_store %arg31[%swap3A_570], %select_n3A_569 {strides = array<i32>} : memref<288xf32, #tpu.memory_space<vmem>>, vector<16xf32>,
    %get3A_572 = arith.constant 192 : index
    %get3A_573 = tpu.vector_load %arg26[%get3A_572] {strides = array<i32>} : memref<288xf32, #tpu.memory_space<vmem>>, vector<16xf32>,
    %sub3A_574 = arith.subf %gather3A_556, %get3A_573 : vector<16xf32>
    %get3A_575 = arith.constant 192 : index
    %get3A_576 = tpu.vector_load %arg28[%get3A_575] {strides = array<i32>} : memref<288xf32, #tpu.memory_space<vmem>>, vector<16xf32>,
    %div3A_577 = arith.divf %sub3A_574, %get3A_576 : vector<16xf32>
    %select_n3A_578 = arith.select %ge3A_562, %div3A_577, %broadcast_in_dim3A_3 : vector<16xi1>, vector<16xf32>
    %swap3A_579 = arith.constant 192 : index
    %swap3A_580 = tpu.vector_load %arg32[%swap3A_579] {strides = array<i32>} : memref<288xf32, #tpu.memory_space<vmem>>, vector<16xf32>,
    tpu.vector_store %arg32[%swap3A_579], %select_n3A_578 {strides = array<i32>} : memref<288xf32, #tpu.memory_space<vmem>>, vector<16xf32>,
    %get3A_581 = arith.constant 192 : index
    %get3A_582 = tpu.vector_load %arg29[%get3A_581] {strides = array<i32>} : memref<288xf32, #tpu.memory_space<vmem>>, vector<16xf32>,
    %sub3A_583 = arith.subf %gather3A_557, %get3A_582 : vector<16xf32>
    %select_n3A_584 = arith.select %ge3A_562, %sub3A_583, %broadcast_in_dim3A_3 : vector<16xi1>, vector<16xf32>
    %swap3A_585 = arith.constant 192 : index
    %swap3A_586 = tpu.vector_load %arg33[%swap3A_585] {strides = array<i32>} : memref<288xf32, #tpu.memory_space<vmem>>, vector<16xf32>,
    tpu.vector_store %arg33[%swap3A_585], %select_n3A_584 {strides = array<i32>} : memref<288xf32, #tpu.memory_space<vmem>>, vector<16xf32>,
    %get3A_587 = arith.constant 192 : index
    %get3A_588 = tpu.vector_load %arg30[%get3A_587] {strides = array<i32>} : memref<288xf32, #tpu.memory_space<vmem>>, vector<16xf32>,
    %sub3A_589 = arith.subf %gather3A_558, %get3A_588 : vector<16xf32>
    %select_n3A_590 = arith.select %ge3A_562, %sub3A_589, %broadcast_in_dim3A_3 : vector<16xi1>, vector<16xf32>
    %swap3A_591 = arith.constant 192 : index
    %swap3A_592 = tpu.vector_load %arg34[%swap3A_591] {strides = array<i32>} : memref<288xf32, #tpu.memory_space<vmem>>, vector<16xf32>,
    tpu.vector_store %arg34[%swap3A_591], %select_n3A_590 {strides = array<i32>} : memref<288xf32, #tpu.memory_space<vmem>>, vector<16xf32>,
    %select_n3A_593 = arith.select %ge3A_562, %gather3A_559, %broadcast_in_dim3A_5 : vector<16xi1>, vector<16xi32>
    %swap3A_594 = arith.constant 192 : index
    %swap3A_595 = tpu.vector_load %arg35[%swap3A_594] {strides = array<i32>} : memref<288xi32, #tpu.memory_space<vmem>>, vector<16xi32>,
    tpu.vector_store %arg35[%swap3A_594], %select_n3A_593 {strides = array<i32>} : memref<288xi32, #tpu.memory_space<vmem>>, vector<16xi32>,
    %get3A_596 = arith.constant 208 : index
    %get3A_597 = tpu.vector_load %arg24[%get3A_596] {strides = array<i32>} : memref<288xi32, #tpu.memory_space<vmem>>, vector<16xi32>,
    %max3A_598 = arith.constant 0 : i32
    %max3A_599 = vector.broadcast %max3A_598 : i32 to vector<16xi32>
    %max3A_600 = arith.maxsi %get3A_597, %max3A_599 : vector<16xi32>
    %gather3A_601 = tpu.vector_load_idx %arg19[%max3A_600] : memref<5120xf32, #tpu.memory_space<vmem>>[vector<16xi32>], vector<16xf32>,
    %gather3A_602 = tpu.vector_load_idx %arg20[%max3A_600] : memref<5120xf32, #tpu.memory_space<vmem>>[vector<16xi32>], vector<16xf32>,
    %gather3A_603 = tpu.vector_load_idx %arg21[%max3A_600] : memref<5120xf32, #tpu.memory_space<vmem>>[vector<16xi32>], vector<16xf32>,
    %gather3A_604 = tpu.vector_load_idx %arg22[%max3A_600] : memref<5120xf32, #tpu.memory_space<vmem>>[vector<16xi32>], vector<16xf32>,
    %gather3A_605 = tpu.vector_load_idx %arg23[%max3A_600] : memref<5120xi32, #tpu.memory_space<vmem>>[vector<16xi32>], vector<16xi32>,
    %ge3A_606 = arith.constant 0 : i32
    %ge3A_607 = vector.broadcast %ge3A_606 : i32 to vector<16xi32>
    %ge3A_608 = arith.cmpi sge, %get3A_597, %ge3A_607 : vector<16xi32>
    %get3A_609 = arith.constant 208 : index
    %get3A_610 = tpu.vector_load %arg25[%get3A_609] {strides = array<i32>} : memref<288xf32, #tpu.memory_space<vmem>>, vector<16xf32>,
    %sub3A_611 = arith.subf %gather3A_601, %get3A_610 : vector<16xf32>
    %get3A_612 = arith.constant 208 : index
    %get3A_613 = tpu.vector_load %arg27[%get3A_612] {strides = array<i32>} : memref<288xf32, #tpu.memory_space<vmem>>, vector<16xf32>,
    %div3A_614 = arith.divf %sub3A_611, %get3A_613 : vector<16xf32>
    %select_n3A_615 = arith.select %ge3A_608, %div3A_614, %broadcast_in_dim3A_3 : vector<16xi1>, vector<16xf32>
    %swap3A_616 = arith.constant 208 : index
    %swap3A_617 = tpu.vector_load %arg31[%swap3A_616] {strides = array<i32>} : memref<288xf32, #tpu.memory_space<vmem>>, vector<16xf32>,
    tpu.vector_store %arg31[%swap3A_616], %select_n3A_615 {strides = array<i32>} : memref<288xf32, #tpu.memory_space<vmem>>, vector<16xf32>,
    %get3A_618 = arith.constant 208 : index
    %get3A_619 = tpu.vector_load %arg26[%get3A_618] {strides = array<i32>} : memref<288xf32, #tpu.memory_space<vmem>>, vector<16xf32>,
    %sub3A_620 = arith.subf %gather3A_602, %get3A_619 : vector<16xf32>
    %get3A_621 = arith.constant 208 : index
    %get3A_622 = tpu.vector_load %arg28[%get3A_621] {strides = array<i32>} : memref<288xf32, #tpu.memory_space<vmem>>, vector<16xf32>,
    %div3A_623 = arith.divf %sub3A_620, %get3A_622 : vector<16xf32>
    %select_n3A_624 = arith.select %ge3A_608, %div3A_623, %broadcast_in_dim3A_3 : vector<16xi1>, vector<16xf32>
    %swap3A_625 = arith.constant 208 : index
    %swap3A_626 = tpu.vector_load %arg32[%swap3A_625] {strides = array<i32>} : memref<288xf32, #tpu.memory_space<vmem>>, vector<16xf32>,
    tpu.vector_store %arg32[%swap3A_625], %select_n3A_624 {strides = array<i32>} : memref<288xf32, #tpu.memory_space<vmem>>, vector<16xf32>,
    %get3A_627 = arith.constant 208 : index
    %get3A_628 = tpu.vector_load %arg29[%get3A_627] {strides = array<i32>} : memref<288xf32, #tpu.memory_space<vmem>>, vector<16xf32>,
    %sub3A_629 = arith.subf %gather3A_603, %get3A_628 : vector<16xf32>
    %select_n3A_630 = arith.select %ge3A_608, %sub3A_629, %broadcast_in_dim3A_3 : vector<16xi1>, vector<16xf32>
    %swap3A_631 = arith.constant 208 : index
    %swap3A_632 = tpu.vector_load %arg33[%swap3A_631] {strides = array<i32>} : memref<288xf32, #tpu.memory_space<vmem>>, vector<16xf32>,
    tpu.vector_store %arg33[%swap3A_631], %select_n3A_630 {strides = array<i32>} : memref<288xf32, #tpu.memory_space<vmem>>, vector<16xf32>,
    %get3A_633 = arith.constant 208 : index
    %get3A_634 = tpu.vector_load %arg30[%get3A_633] {strides = array<i32>} : memref<288xf32, #tpu.memory_space<vmem>>, vector<16xf32>,
    %sub3A_635 = arith.subf %gather3A_604, %get3A_634 : vector<16xf32>
    %select_n3A_636 = arith.select %ge3A_608, %sub3A_635, %broadcast_in_dim3A_3 : vector<16xi1>, vector<16xf32>
    %swap3A_637 = arith.constant 208 : index
    %swap3A_638 = tpu.vector_load %arg34[%swap3A_637] {strides = array<i32>} : memref<288xf32, #tpu.memory_space<vmem>>, vector<16xf32>,
    tpu.vector_store %arg34[%swap3A_637], %select_n3A_636 {strides = array<i32>} : memref<288xf32, #tpu.memory_space<vmem>>, vector<16xf32>,
    %select_n3A_639 = arith.select %ge3A_608, %gather3A_605, %broadcast_in_dim3A_5 : vector<16xi1>, vector<16xi32>
    %swap3A_640 = arith.constant 208 : index
    %swap3A_641 = tpu.vector_load %arg35[%swap3A_640] {strides = array<i32>} : memref<288xi32, #tpu.memory_space<vmem>>, vector<16xi32>,
    tpu.vector_store %arg35[%swap3A_640], %select_n3A_639 {strides = array<i32>} : memref<288xi32, #tpu.memory_space<vmem>>, vector<16xi32>,
    %get3A_642 = arith.constant 224 : index
    %get3A_643 = tpu.vector_load %arg24[%get3A_642] {strides = array<i32>} : memref<288xi32, #tpu.memory_space<vmem>>, vector<16xi32>,
    %max3A_644 = arith.constant 0 : i32
    %max3A_645 = vector.broadcast %max3A_644 : i32 to vector<16xi32>
    %max3A_646 = arith.maxsi %get3A_643, %max3A_645 : vector<16xi32>
    %gather3A_647 = tpu.vector_load_idx %arg19[%max3A_646] : memref<5120xf32, #tpu.memory_space<vmem>>[vector<16xi32>], vector<16xf32>,
    %gather3A_648 = tpu.vector_load_idx %arg20[%max3A_646] : memref<5120xf32, #tpu.memory_space<vmem>>[vector<16xi32>], vector<16xf32>,
    %gather3A_649 = tpu.vector_load_idx %arg21[%max3A_646] : memref<5120xf32, #tpu.memory_space<vmem>>[vector<16xi32>], vector<16xf32>,
    %gather3A_650 = tpu.vector_load_idx %arg22[%max3A_646] : memref<5120xf32, #tpu.memory_space<vmem>>[vector<16xi32>], vector<16xf32>,
    %gather3A_651 = tpu.vector_load_idx %arg23[%max3A_646] : memref<5120xi32, #tpu.memory_space<vmem>>[vector<16xi32>], vector<16xi32>,
    %ge3A_652 = arith.constant 0 : i32
    %ge3A_653 = vector.broadcast %ge3A_652 : i32 to vector<16xi32>
    %ge3A_654 = arith.cmpi sge, %get3A_643, %ge3A_653 : vector<16xi32>
    %get3A_655 = arith.constant 224 : index
    %get3A_656 = tpu.vector_load %arg25[%get3A_655] {strides = array<i32>} : memref<288xf32, #tpu.memory_space<vmem>>, vector<16xf32>,
    %sub3A_657 = arith.subf %gather3A_647, %get3A_656 : vector<16xf32>
    %get3A_658 = arith.constant 224 : index
    %get3A_659 = tpu.vector_load %arg27[%get3A_658] {strides = array<i32>} : memref<288xf32, #tpu.memory_space<vmem>>, vector<16xf32>,
    %div3A_660 = arith.divf %sub3A_657, %get3A_659 : vector<16xf32>
    %select_n3A_661 = arith.select %ge3A_654, %div3A_660, %broadcast_in_dim3A_3 : vector<16xi1>, vector<16xf32>
    %swap3A_662 = arith.constant 224 : index
    %swap3A_663 = tpu.vector_load %arg31[%swap3A_662] {strides = array<i32>} : memref<288xf32, #tpu.memory_space<vmem>>, vector<16xf32>,
    tpu.vector_store %arg31[%swap3A_662], %select_n3A_661 {strides = array<i32>} : memref<288xf32, #tpu.memory_space<vmem>>, vector<16xf32>,
    %get3A_664 = arith.constant 224 : index
    %get3A_665 = tpu.vector_load %arg26[%get3A_664] {strides = array<i32>} : memref<288xf32, #tpu.memory_space<vmem>>, vector<16xf32>,
    %sub3A_666 = arith.subf %gather3A_648, %get3A_665 : vector<16xf32>
    %get3A_667 = arith.constant 224 : index
    %get3A_668 = tpu.vector_load %arg28[%get3A_667] {strides = array<i32>} : memref<288xf32, #tpu.memory_space<vmem>>, vector<16xf32>,
    %div3A_669 = arith.divf %sub3A_666, %get3A_668 : vector<16xf32>
    %select_n3A_670 = arith.select %ge3A_654, %div3A_669, %broadcast_in_dim3A_3 : vector<16xi1>, vector<16xf32>
    %swap3A_671 = arith.constant 224 : index
    %swap3A_672 = tpu.vector_load %arg32[%swap3A_671] {strides = array<i32>} : memref<288xf32, #tpu.memory_space<vmem>>, vector<16xf32>,
    tpu.vector_store %arg32[%swap3A_671], %select_n3A_670 {strides = array<i32>} : memref<288xf32, #tpu.memory_space<vmem>>, vector<16xf32>,
    %get3A_673 = arith.constant 224 : index
    %get3A_674 = tpu.vector_load %arg29[%get3A_673] {strides = array<i32>} : memref<288xf32, #tpu.memory_space<vmem>>, vector<16xf32>,
    %sub3A_675 = arith.subf %gather3A_649, %get3A_674 : vector<16xf32>
    %select_n3A_676 = arith.select %ge3A_654, %sub3A_675, %broadcast_in_dim3A_3 : vector<16xi1>, vector<16xf32>
    %swap3A_677 = arith.constant 224 : index
    %swap3A_678 = tpu.vector_load %arg33[%swap3A_677] {strides = array<i32>} : memref<288xf32, #tpu.memory_space<vmem>>, vector<16xf32>,
    tpu.vector_store %arg33[%swap3A_677], %select_n3A_676 {strides = array<i32>} : memref<288xf32, #tpu.memory_space<vmem>>, vector<16xf32>,
    %get3A_679 = arith.constant 224 : index
    %get3A_680 = tpu.vector_load %arg30[%get3A_679] {strides = array<i32>} : memref<288xf32, #tpu.memory_space<vmem>>, vector<16xf32>,
    %sub3A_681 = arith.subf %gather3A_650, %get3A_680 : vector<16xf32>
    %select_n3A_682 = arith.select %ge3A_654, %sub3A_681, %broadcast_in_dim3A_3 : vector<16xi1>, vector<16xf32>
    %swap3A_683 = arith.constant 224 : index
    %swap3A_684 = tpu.vector_load %arg34[%swap3A_683] {strides = array<i32>} : memref<288xf32, #tpu.memory_space<vmem>>, vector<16xf32>,
    tpu.vector_store %arg34[%swap3A_683], %select_n3A_682 {strides = array<i32>} : memref<288xf32, #tpu.memory_space<vmem>>, vector<16xf32>,
    %select_n3A_685 = arith.select %ge3A_654, %gather3A_651, %broadcast_in_dim3A_5 : vector<16xi1>, vector<16xi32>
    %swap3A_686 = arith.constant 224 : index
    %swap3A_687 = tpu.vector_load %arg35[%swap3A_686] {strides = array<i32>} : memref<288xi32, #tpu.memory_space<vmem>>, vector<16xi32>,
    tpu.vector_store %arg35[%swap3A_686], %select_n3A_685 {strides = array<i32>} : memref<288xi32, #tpu.memory_space<vmem>>, vector<16xi32>,
    %get3A_688 = arith.constant 240 : index
    %get3A_689 = tpu.vector_load %arg24[%get3A_688] {strides = array<i32>} : memref<288xi32, #tpu.memory_space<vmem>>, vector<16xi32>,
    %max3A_690 = arith.constant 0 : i32
    %max3A_691 = vector.broadcast %max3A_690 : i32 to vector<16xi32>
    %max3A_692 = arith.maxsi %get3A_689, %max3A_691 : vector<16xi32>
    %gather3A_693 = tpu.vector_load_idx %arg19[%max3A_692] : memref<5120xf32, #tpu.memory_space<vmem>>[vector<16xi32>], vector<16xf32>,
    %gather3A_694 = tpu.vector_load_idx %arg20[%max3A_692] : memref<5120xf32, #tpu.memory_space<vmem>>[vector<16xi32>], vector<16xf32>,
    %gather3A_695 = tpu.vector_load_idx %arg21[%max3A_692] : memref<5120xf32, #tpu.memory_space<vmem>>[vector<16xi32>], vector<16xf32>,
    %gather3A_696 = tpu.vector_load_idx %arg22[%max3A_692] : memref<5120xf32, #tpu.memory_space<vmem>>[vector<16xi32>], vector<16xf32>,
    %gather3A_697 = tpu.vector_load_idx %arg23[%max3A_692] : memref<5120xi32, #tpu.memory_space<vmem>>[vector<16xi32>], vector<16xi32>,
    %ge3A_698 = arith.constant 0 : i32
    %ge3A_699 = vector.broadcast %ge3A_698 : i32 to vector<16xi32>
    %ge3A_700 = arith.cmpi sge, %get3A_689, %ge3A_699 : vector<16xi32>
    %get3A_701 = arith.constant 240 : index
    %get3A_702 = tpu.vector_load %arg25[%get3A_701] {strides = array<i32>} : memref<288xf32, #tpu.memory_space<vmem>>, vector<16xf32>,
    %sub3A_703 = arith.subf %gather3A_693, %get3A_702 : vector<16xf32>
    %get3A_704 = arith.constant 240 : index
    %get3A_705 = tpu.vector_load %arg27[%get3A_704] {strides = array<i32>} : memref<288xf32, #tpu.memory_space<vmem>>, vector<16xf32>,
    %div3A_706 = arith.divf %sub3A_703, %get3A_705 : vector<16xf32>
    %select_n3A_707 = arith.select %ge3A_700, %div3A_706, %broadcast_in_dim3A_3 : vector<16xi1>, vector<16xf32>
    %swap3A_708 = arith.constant 240 : index
    %swap3A_709 = tpu.vector_load %arg31[%swap3A_708] {strides = array<i32>} : memref<288xf32, #tpu.memory_space<vmem>>, vector<16xf32>,
    tpu.vector_store %arg31[%swap3A_708], %select_n3A_707 {strides = array<i32>} : memref<288xf32, #tpu.memory_space<vmem>>, vector<16xf32>,
    %get3A_710 = arith.constant 240 : index
    %get3A_711 = tpu.vector_load %arg26[%get3A_710] {strides = array<i32>} : memref<288xf32, #tpu.memory_space<vmem>>, vector<16xf32>,
    %sub3A_712 = arith.subf %gather3A_694, %get3A_711 : vector<16xf32>
    %get3A_713 = arith.constant 240 : index
    %get3A_714 = tpu.vector_load %arg28[%get3A_713] {strides = array<i32>} : memref<288xf32, #tpu.memory_space<vmem>>, vector<16xf32>,
    %div3A_715 = arith.divf %sub3A_712, %get3A_714 : vector<16xf32>
    %select_n3A_716 = arith.select %ge3A_700, %div3A_715, %broadcast_in_dim3A_3 : vector<16xi1>, vector<16xf32>
    %swap3A_717 = arith.constant 240 : index
    %swap3A_718 = tpu.vector_load %arg32[%swap3A_717] {strides = array<i32>} : memref<288xf32, #tpu.memory_space<vmem>>, vector<16xf32>,
    tpu.vector_store %arg32[%swap3A_717], %select_n3A_716 {strides = array<i32>} : memref<288xf32, #tpu.memory_space<vmem>>, vector<16xf32>,
    %get3A_719 = arith.constant 240 : index
    %get3A_720 = tpu.vector_load %arg29[%get3A_719] {strides = array<i32>} : memref<288xf32, #tpu.memory_space<vmem>>, vector<16xf32>,
    %sub3A_721 = arith.subf %gather3A_695, %get3A_720 : vector<16xf32>
    %select_n3A_722 = arith.select %ge3A_700, %sub3A_721, %broadcast_in_dim3A_3 : vector<16xi1>, vector<16xf32>
    %swap3A_723 = arith.constant 240 : index
    %swap3A_724 = tpu.vector_load %arg33[%swap3A_723] {strides = array<i32>} : memref<288xf32, #tpu.memory_space<vmem>>, vector<16xf32>,
    tpu.vector_store %arg33[%swap3A_723], %select_n3A_722 {strides = array<i32>} : memref<288xf32, #tpu.memory_space<vmem>>, vector<16xf32>,
    %get3A_725 = arith.constant 240 : index
    %get3A_726 = tpu.vector_load %arg30[%get3A_725] {strides = array<i32>} : memref<288xf32, #tpu.memory_space<vmem>>, vector<16xf32>,
    %sub3A_727 = arith.subf %gather3A_696, %get3A_726 : vector<16xf32>
    %select_n3A_728 = arith.select %ge3A_700, %sub3A_727, %broadcast_in_dim3A_3 : vector<16xi1>, vector<16xf32>
    %swap3A_729 = arith.constant 240 : index
    %swap3A_730 = tpu.vector_load %arg34[%swap3A_729] {strides = array<i32>} : memref<288xf32, #tpu.memory_space<vmem>>, vector<16xf32>,
    tpu.vector_store %arg34[%swap3A_729], %select_n3A_728 {strides = array<i32>} : memref<288xf32, #tpu.memory_space<vmem>>, vector<16xf32>,
    %select_n3A_731 = arith.select %ge3A_700, %gather3A_697, %broadcast_in_dim3A_5 : vector<16xi1>, vector<16xi32>
    %swap3A_732 = arith.constant 240 : index
    %swap3A_733 = tpu.vector_load %arg35[%swap3A_732] {strides = array<i32>} : memref<288xi32, #tpu.memory_space<vmem>>, vector<16xi32>,
    tpu.vector_store %arg35[%swap3A_732], %select_n3A_731 {strides = array<i32>} : memref<288xi32, #tpu.memory_space<vmem>>, vector<16xi32>,
    %get3A_734 = arith.constant 256 : index
    %get3A_735 = tpu.vector_load %arg24[%get3A_734] {strides = array<i32>} : memref<288xi32, #tpu.memory_space<vmem>>, vector<16xi32>,
    %max3A_736 = arith.constant 0 : i32
    %max3A_737 = vector.broadcast %max3A_736 : i32 to vector<16xi32>
    %max3A_738 = arith.maxsi %get3A_735, %max3A_737 : vector<16xi32>
    %gather3A_739 = tpu.vector_load_idx %arg19[%max3A_738] : memref<5120xf32, #tpu.memory_space<vmem>>[vector<16xi32>], vector<16xf32>,
    %gather3A_740 = tpu.vector_load_idx %arg20[%max3A_738] : memref<5120xf32, #tpu.memory_space<vmem>>[vector<16xi32>], vector<16xf32>,
    %gather3A_741 = tpu.vector_load_idx %arg21[%max3A_738] : memref<5120xf32, #tpu.memory_space<vmem>>[vector<16xi32>], vector<16xf32>,
    %gather3A_742 = tpu.vector_load_idx %arg22[%max3A_738] : memref<5120xf32, #tpu.memory_space<vmem>>[vector<16xi32>], vector<16xf32>,
    %gather3A_743 = tpu.vector_load_idx %arg23[%max3A_738] : memref<5120xi32, #tpu.memory_space<vmem>>[vector<16xi32>], vector<16xi32>,
    %ge3A_744 = arith.constant 0 : i32
    %ge3A_745 = vector.broadcast %ge3A_744 : i32 to vector<16xi32>
    %ge3A_746 = arith.cmpi sge, %get3A_735, %ge3A_745 : vector<16xi32>
    %get3A_747 = arith.constant 256 : index
    %get3A_748 = tpu.vector_load %arg25[%get3A_747] {strides = array<i32>} : memref<288xf32, #tpu.memory_space<vmem>>, vector<16xf32>,
    %sub3A_749 = arith.subf %gather3A_739, %get3A_748 : vector<16xf32>
    %get3A_750 = arith.constant 256 : index
    %get3A_751 = tpu.vector_load %arg27[%get3A_750] {strides = array<i32>} : memref<288xf32, #tpu.memory_space<vmem>>, vector<16xf32>,
    %div3A_752 = arith.divf %sub3A_749, %get3A_751 : vector<16xf32>
    %select_n3A_753 = arith.select %ge3A_746, %div3A_752, %broadcast_in_dim3A_3 : vector<16xi1>, vector<16xf32>
    %swap3A_754 = arith.constant 256 : index
    %swap3A_755 = tpu.vector_load %arg31[%swap3A_754] {strides = array<i32>} : memref<288xf32, #tpu.memory_space<vmem>>, vector<16xf32>,
    tpu.vector_store %arg31[%swap3A_754], %select_n3A_753 {strides = array<i32>} : memref<288xf32, #tpu.memory_space<vmem>>, vector<16xf32>,
    %get3A_756 = arith.constant 256 : index
    %get3A_757 = tpu.vector_load %arg26[%get3A_756] {strides = array<i32>} : memref<288xf32, #tpu.memory_space<vmem>>, vector<16xf32>,
    %sub3A_758 = arith.subf %gather3A_740, %get3A_757 : vector<16xf32>
    %get3A_759 = arith.constant 256 : index
    %get3A_760 = tpu.vector_load %arg28[%get3A_759] {strides = array<i32>} : memref<288xf32, #tpu.memory_space<vmem>>, vector<16xf32>,
    %div3A_761 = arith.divf %sub3A_758, %get3A_760 : vector<16xf32>
    %select_n3A_762 = arith.select %ge3A_746, %div3A_761, %broadcast_in_dim3A_3 : vector<16xi1>, vector<16xf32>
    %swap3A_763 = arith.constant 256 : index
    %swap3A_764 = tpu.vector_load %arg32[%swap3A_763] {strides = array<i32>} : memref<288xf32, #tpu.memory_space<vmem>>, vector<16xf32>,
    tpu.vector_store %arg32[%swap3A_763], %select_n3A_762 {strides = array<i32>} : memref<288xf32, #tpu.memory_space<vmem>>, vector<16xf32>,
    %get3A_765 = arith.constant 256 : index
    %get3A_766 = tpu.vector_load %arg29[%get3A_765] {strides = array<i32>} : memref<288xf32, #tpu.memory_space<vmem>>, vector<16xf32>,
    %sub3A_767 = arith.subf %gather3A_741, %get3A_766 : vector<16xf32>
    %select_n3A_768 = arith.select %ge3A_746, %sub3A_767, %broadcast_in_dim3A_3 : vector<16xi1>, vector<16xf32>
    %swap3A_769 = arith.constant 256 : index
    %swap3A_770 = tpu.vector_load %arg33[%swap3A_769] {strides = array<i32>} : memref<288xf32, #tpu.memory_space<vmem>>, vector<16xf32>,
    tpu.vector_store %arg33[%swap3A_769], %select_n3A_768 {strides = array<i32>} : memref<288xf32, #tpu.memory_space<vmem>>, vector<16xf32>,
    %get3A_771 = arith.constant 256 : index
    %get3A_772 = tpu.vector_load %arg30[%get3A_771] {strides = array<i32>} : memref<288xf32, #tpu.memory_space<vmem>>, vector<16xf32>,
    %sub3A_773 = arith.subf %gather3A_742, %get3A_772 : vector<16xf32>
    %select_n3A_774 = arith.select %ge3A_746, %sub3A_773, %broadcast_in_dim3A_3 : vector<16xi1>, vector<16xf32>
    %swap3A_775 = arith.constant 256 : index
    %swap3A_776 = tpu.vector_load %arg34[%swap3A_775] {strides = array<i32>} : memref<288xf32, #tpu.memory_space<vmem>>, vector<16xf32>,
    tpu.vector_store %arg34[%swap3A_775], %select_n3A_774 {strides = array<i32>} : memref<288xf32, #tpu.memory_space<vmem>>, vector<16xf32>,
    %select_n3A_777 = arith.select %ge3A_746, %gather3A_743, %broadcast_in_dim3A_5 : vector<16xi1>, vector<16xi32>
    %swap3A_778 = arith.constant 256 : index
    %swap3A_779 = tpu.vector_load %arg35[%swap3A_778] {strides = array<i32>} : memref<288xi32, #tpu.memory_space<vmem>>, vector<16xi32>,
    tpu.vector_store %arg35[%swap3A_778], %select_n3A_777 {strides = array<i32>} : memref<288xi32, #tpu.memory_space<vmem>>, vector<16xi32>,
    %get3A_780 = arith.constant 272 : index
    %get3A_781 = tpu.vector_load %arg24[%get3A_780] {strides = array<i32>} : memref<288xi32, #tpu.memory_space<vmem>>, vector<16xi32>,
    %max3A_782 = arith.constant 0 : i32
    %max3A_783 = vector.broadcast %max3A_782 : i32 to vector<16xi32>
    %max3A_784 = arith.maxsi %get3A_781, %max3A_783 : vector<16xi32>
    %gather3A_785 = tpu.vector_load_idx %arg19[%max3A_784] : memref<5120xf32, #tpu.memory_space<vmem>>[vector<16xi32>], vector<16xf32>,
    %gather3A_786 = tpu.vector_load_idx %arg20[%max3A_784] : memref<5120xf32, #tpu.memory_space<vmem>>[vector<16xi32>], vector<16xf32>,
    %gather3A_787 = tpu.vector_load_idx %arg21[%max3A_784] : memref<5120xf32, #tpu.memory_space<vmem>>[vector<16xi32>], vector<16xf32>,
    %gather3A_788 = tpu.vector_load_idx %arg22[%max3A_784] : memref<5120xf32, #tpu.memory_space<vmem>>[vector<16xi32>], vector<16xf32>,
    %gather3A_789 = tpu.vector_load_idx %arg23[%max3A_784] : memref<5120xi32, #tpu.memory_space<vmem>>[vector<16xi32>], vector<16xi32>,
    %ge3A_790 = arith.constant 0 : i32
    %ge3A_791 = vector.broadcast %ge3A_790 : i32 to vector<16xi32>
    %ge3A_792 = arith.cmpi sge, %get3A_781, %ge3A_791 : vector<16xi32>
    %get3A_793 = arith.constant 272 : index
    %get3A_794 = tpu.vector_load %arg25[%get3A_793] {strides = array<i32>} : memref<288xf32, #tpu.memory_space<vmem>>, vector<16xf32>,
    %sub3A_795 = arith.subf %gather3A_785, %get3A_794 : vector<16xf32>
    %get3A_796 = arith.constant 272 : index
    %get3A_797 = tpu.vector_load %arg27[%get3A_796] {strides = array<i32>} : memref<288xf32, #tpu.memory_space<vmem>>, vector<16xf32>,
    %div3A_798 = arith.divf %sub3A_795, %get3A_797 : vector<16xf32>
    %select_n3A_799 = arith.select %ge3A_792, %div3A_798, %broadcast_in_dim3A_3 : vector<16xi1>, vector<16xf32>
    %swap3A_800 = arith.constant 272 : index
    %swap3A_801 = tpu.vector_load %arg31[%swap3A_800] {strides = array<i32>} : memref<288xf32, #tpu.memory_space<vmem>>, vector<16xf32>,
    tpu.vector_store %arg31[%swap3A_800], %select_n3A_799 {strides = array<i32>} : memref<288xf32, #tpu.memory_space<vmem>>, vector<16xf32>,
    %get3A_802 = arith.constant 272 : index
    %get3A_803 = tpu.vector_load %arg26[%get3A_802] {strides = array<i32>} : memref<288xf32, #tpu.memory_space<vmem>>, vector<16xf32>,
    %sub3A_804 = arith.subf %gather3A_786, %get3A_803 : vector<16xf32>
    %get3A_805 = arith.constant 272 : index
    %get3A_806 = tpu.vector_load %arg28[%get3A_805] {strides = array<i32>} : memref<288xf32, #tpu.memory_space<vmem>>, vector<16xf32>,
    %div3A_807 = arith.divf %sub3A_804, %get3A_806 : vector<16xf32>
    %select_n3A_808 = arith.select %ge3A_792, %div3A_807, %broadcast_in_dim3A_3 : vector<16xi1>, vector<16xf32>
    %swap3A_809 = arith.constant 272 : index
    %swap3A_810 = tpu.vector_load %arg32[%swap3A_809] {strides = array<i32>} : memref<288xf32, #tpu.memory_space<vmem>>, vector<16xf32>,
    tpu.vector_store %arg32[%swap3A_809], %select_n3A_808 {strides = array<i32>} : memref<288xf32, #tpu.memory_space<vmem>>, vector<16xf32>,
    %get3A_811 = arith.constant 272 : index
    %get3A_812 = tpu.vector_load %arg29[%get3A_811] {strides = array<i32>} : memref<288xf32, #tpu.memory_space<vmem>>, vector<16xf32>,
    %sub3A_813 = arith.subf %gather3A_787, %get3A_812 : vector<16xf32>
    %select_n3A_814 = arith.select %ge3A_792, %sub3A_813, %broadcast_in_dim3A_3 : vector<16xi1>, vector<16xf32>
    %swap3A_815 = arith.constant 272 : index
    %swap3A_816 = tpu.vector_load %arg33[%swap3A_815] {strides = array<i32>} : memref<288xf32, #tpu.memory_space<vmem>>, vector<16xf32>,
    tpu.vector_store %arg33[%swap3A_815], %select_n3A_814 {strides = array<i32>} : memref<288xf32, #tpu.memory_space<vmem>>, vector<16xf32>,
    %get3A_817 = arith.constant 272 : index
    %get3A_818 = tpu.vector_load %arg30[%get3A_817] {strides = array<i32>} : memref<288xf32, #tpu.memory_space<vmem>>, vector<16xf32>,
    %sub3A_819 = arith.subf %gather3A_788, %get3A_818 : vector<16xf32>
    %select_n3A_820 = arith.select %ge3A_792, %sub3A_819, %broadcast_in_dim3A_3 : vector<16xi1>, vector<16xf32>
    %swap3A_821 = arith.constant 272 : index
    %swap3A_822 = tpu.vector_load %arg34[%swap3A_821] {strides = array<i32>} : memref<288xf32, #tpu.memory_space<vmem>>, vector<16xf32>,
    tpu.vector_store %arg34[%swap3A_821], %select_n3A_820 {strides = array<i32>} : memref<288xf32, #tpu.memory_space<vmem>>, vector<16xf32>,
    %select_n3A_823 = arith.select %ge3A_792, %gather3A_789, %broadcast_in_dim3A_5 : vector<16xi1>, vector<16xi32>
    %swap3A_824 = arith.constant 272 : index
    %swap3A_825 = tpu.vector_load %arg35[%swap3A_824] {strides = array<i32>} : memref<288xi32, #tpu.memory_space<vmem>>, vector<16xi32>,
    tpu.vector_store %arg35[%swap3A_824], %select_n3A_823 {strides = array<i32>} : memref<288xi32, #tpu.memory_space<vmem>>, vector<16xi32>,
    "tpu.region"() ({
      %run_scoped3A = tpu.sem_alloc : memref<!tpu.dma_semaphore, #tpu.memory_space<semaphore_mem>>
      %dma_start3A = tpu.memref_slice %arg14[%mul3A_2] : memref<9216xf32, #tpu.memory_space<hbm>> -> memref<288xf32, #tpu.memory_space<hbm>>
      %dma_start3A_826 = tpu.memref_slice %arg14[%mul3A_2] : memref<9216xf32, #tpu.memory_space<hbm>> -> memref<288xf32, #tpu.memory_space<hbm>>
      tpu.enqueue_dma source(%arg31 : memref<288xf32, #tpu.memory_space<vmem>>) target(%dma_start3A_826 : memref<288xf32, #tpu.memory_space<hbm>>) target_semaphore(%run_scoped3A : memref<!tpu.dma_semaphore, #tpu.memory_space<semaphore_mem>>)
      %dma_wait3A = tpu.memref_slice %arg14[%mul3A_2] : memref<9216xf32, #tpu.memory_space<hbm>> -> memref<288xf32, #tpu.memory_space<hbm>>
      %dma_wait3A_827 = tpu.memref_slice %arg14[%mul3A_2] : memref<9216xf32, #tpu.memory_space<hbm>> -> memref<288xf32, #tpu.memory_space<hbm>>
      tpu.wait_dma2 semaphore(%run_scoped3A : memref<!tpu.dma_semaphore, #tpu.memory_space<semaphore_mem>>) src(%arg31 : memref<288xf32, #tpu.memory_space<vmem>>) dst(%dma_wait3A_827 : memref<288xf32, #tpu.memory_space<hbm>>)
      tpu.yield
    }) : () -> ()
    "tpu.region"() ({
      %run_scoped3A = tpu.sem_alloc : memref<!tpu.dma_semaphore, #tpu.memory_space<semaphore_mem>>
      %dma_start3A = tpu.memref_slice %arg15[%mul3A_2] : memref<9216xf32, #tpu.memory_space<hbm>> -> memref<288xf32, #tpu.memory_space<hbm>>
      %dma_start3A_826 = tpu.memref_slice %arg15[%mul3A_2] : memref<9216xf32, #tpu.memory_space<hbm>> -> memref<288xf32, #tpu.memory_space<hbm>>
      tpu.enqueue_dma source(%arg32 : memref<288xf32, #tpu.memory_space<vmem>>) target(%dma_start3A_826 : memref<288xf32, #tpu.memory_space<hbm>>) target_semaphore(%run_scoped3A : memref<!tpu.dma_semaphore, #tpu.memory_space<semaphore_mem>>)
      %dma_wait3A = tpu.memref_slice %arg15[%mul3A_2] : memref<9216xf32, #tpu.memory_space<hbm>> -> memref<288xf32, #tpu.memory_space<hbm>>
      %dma_wait3A_827 = tpu.memref_slice %arg15[%mul3A_2] : memref<9216xf32, #tpu.memory_space<hbm>> -> memref<288xf32, #tpu.memory_space<hbm>>
      tpu.wait_dma2 semaphore(%run_scoped3A : memref<!tpu.dma_semaphore, #tpu.memory_space<semaphore_mem>>) src(%arg32 : memref<288xf32, #tpu.memory_space<vmem>>) dst(%dma_wait3A_827 : memref<288xf32, #tpu.memory_space<hbm>>)
      tpu.yield
    }) : () -> ()
    "tpu.region"() ({
      %run_scoped3A = tpu.sem_alloc : memref<!tpu.dma_semaphore, #tpu.memory_space<semaphore_mem>>
      %dma_start3A = tpu.memref_slice %arg16[%mul3A_2] : memref<9216xf32, #tpu.memory_space<hbm>> -> memref<288xf32, #tpu.memory_space<hbm>>
      %dma_start3A_826 = tpu.memref_slice %arg16[%mul3A_2] : memref<9216xf32, #tpu.memory_space<hbm>> -> memref<288xf32, #tpu.memory_space<hbm>>
      tpu.enqueue_dma source(%arg33 : memref<288xf32, #tpu.memory_space<vmem>>) target(%dma_start3A_826 : memref<288xf32, #tpu.memory_space<hbm>>) target_semaphore(%run_scoped3A : memref<!tpu.dma_semaphore, #tpu.memory_space<semaphore_mem>>)
      %dma_wait3A = tpu.memref_slice %arg16[%mul3A_2] : memref<9216xf32, #tpu.memory_space<hbm>> -> memref<288xf32, #tpu.memory_space<hbm>>
      %dma_wait3A_827 = tpu.memref_slice %arg16[%mul3A_2] : memref<9216xf32, #tpu.memory_space<hbm>> -> memref<288xf32, #tpu.memory_space<hbm>>
      tpu.wait_dma2 semaphore(%run_scoped3A : memref<!tpu.dma_semaphore, #tpu.memory_space<semaphore_mem>>) src(%arg33 : memref<288xf32, #tpu.memory_space<vmem>>) dst(%dma_wait3A_827 : memref<288xf32, #tpu.memory_space<hbm>>)
      tpu.yield
    }) : () -> ()
    "tpu.region"() ({
      %run_scoped3A = tpu.sem_alloc : memref<!tpu.dma_semaphore, #tpu.memory_space<semaphore_mem>>
      %dma_start3A = tpu.memref_slice %arg17[%mul3A_2] : memref<9216xf32, #tpu.memory_space<hbm>> -> memref<288xf32, #tpu.memory_space<hbm>>
      %dma_start3A_826 = tpu.memref_slice %arg17[%mul3A_2] : memref<9216xf32, #tpu.memory_space<hbm>> -> memref<288xf32, #tpu.memory_space<hbm>>
      tpu.enqueue_dma source(%arg34 : memref<288xf32, #tpu.memory_space<vmem>>) target(%dma_start3A_826 : memref<288xf32, #tpu.memory_space<hbm>>) target_semaphore(%run_scoped3A : memref<!tpu.dma_semaphore, #tpu.memory_space<semaphore_mem>>)
      %dma_wait3A = tpu.memref_slice %arg17[%mul3A_2] : memref<9216xf32, #tpu.memory_space<hbm>> -> memref<288xf32, #tpu.memory_space<hbm>>
      %dma_wait3A_827 = tpu.memref_slice %arg17[%mul3A_2] : memref<9216xf32, #tpu.memory_space<hbm>> -> memref<288xf32, #tpu.memory_space<hbm>>
      tpu.wait_dma2 semaphore(%run_scoped3A : memref<!tpu.dma_semaphore, #tpu.memory_space<semaphore_mem>>) src(%arg34 : memref<288xf32, #tpu.memory_space<vmem>>) dst(%dma_wait3A_827 : memref<288xf32, #tpu.memory_space<hbm>>)
      tpu.yield
    }) : () -> ()
    "tpu.region"() ({
      %run_scoped3A = tpu.sem_alloc : memref<!tpu.dma_semaphore, #tpu.memory_space<semaphore_mem>>
      %dma_start3A = tpu.memref_slice %arg18[%mul3A_2] : memref<9216xi32, #tpu.memory_space<hbm>> -> memref<288xi32, #tpu.memory_space<hbm>>
      %dma_start3A_826 = tpu.memref_slice %arg18[%mul3A_2] : memref<9216xi32, #tpu.memory_space<hbm>> -> memref<288xi32, #tpu.memory_space<hbm>>
      tpu.enqueue_dma source(%arg35 : memref<288xi32, #tpu.memory_space<vmem>>) target(%dma_start3A_826 : memref<288xi32, #tpu.memory_space<hbm>>) target_semaphore(%run_scoped3A : memref<!tpu.dma_semaphore, #tpu.memory_space<semaphore_mem>>)
      %dma_wait3A = tpu.memref_slice %arg18[%mul3A_2] : memref<9216xi32, #tpu.memory_space<hbm>> -> memref<288xi32, #tpu.memory_space<hbm>>
      %dma_wait3A_827 = tpu.memref_slice %arg18[%mul3A_2] : memref<9216xi32, #tpu.memory_space<hbm>> -> memref<288xi32, #tpu.memory_space<hbm>>
      tpu.wait_dma2 semaphore(%run_scoped3A : memref<!tpu.dma_semaphore, #tpu.memory_space<semaphore_mem>>) src(%arg35 : memref<288xi32, #tpu.memory_space<vmem>>) dst(%dma_wait3A_827 : memref<288xi32, #tpu.memory_space<hbm>>)
      tpu.yield
    }) : () -> ()
    return
  }
}

module attributes {stable_mosaic.version = 14 : i64} {
  func.func @_tc_body(%arg0: i32, %arg1: memref<200x4xf32, #tpu.memory_space<vmem>>, %arg2: memref<4x5120xf32, #tpu.memory_space<vmem>>, %arg3: memref<4x9216xf32, #tpu.memory_space<vmem>>, %arg4: memref<9216xi32, #tpu.memory_space<vmem>>, %arg5: memref<9216xf32, #tpu.memory_space<vmem>>, %arg6: memref<9216xf32, #tpu.memory_space<vmem>>, %arg7: memref<5120xf32, #tpu.memory_space<vmem>>, %arg8: memref<5120xf32, #tpu.memory_space<vmem>>, %arg9: memref<5120xf32, #tpu.memory_space<vmem>>, %arg10: memref<5120xf32, #tpu.memory_space<vmem>>, %arg11: memref<1x8832xf32, #tpu.memory_space<vmem>>, %arg12: memref<1x8832xi32, #tpu.memory_space<vmem>>, %arg13: memref<1x8832xi32, #tpu.memory_space<vmem>>) attributes {dimension_semantics = [#tpu.dimension_semantics<arbitrary>], iteration_bounds = array<i64: 25>, scalar_prefetch = 0 : i64, scratch_operands = 3 : i64, tpu.core_type = #tpu.core_type<tc>, window_params = [{transform_indices = @transform_0, window_bounds = array<i64: 200, 4>}, {pipeline_mode = #tpu.pipeline_mode<synchronous>, transform_indices = @transform_1, window_bounds = array<i64: 4, 5120>}, {pipeline_mode = #tpu.pipeline_mode<synchronous>, transform_indices = @transform_2, window_bounds = array<i64: 4, 9216>}, {pipeline_mode = #tpu.pipeline_mode<synchronous>, transform_indices = @transform_3, window_bounds = array<i64: 9216>}, {pipeline_mode = #tpu.pipeline_mode<synchronous>, transform_indices = @transform_4, window_bounds = array<i64: 9216>}, {pipeline_mode = #tpu.pipeline_mode<synchronous>, transform_indices = @transform_5, window_bounds = array<i64: 9216>}, {pipeline_mode = #tpu.pipeline_mode<synchronous>, transform_indices = @transform_6, window_bounds = array<i64: 5120>}, {pipeline_mode = #tpu.pipeline_mode<synchronous>, transform_indices = @transform_7, window_bounds = array<i64: 5120>}, {pipeline_mode = #tpu.pipeline_mode<synchronous>, transform_indices = @transform_8, window_bounds = array<i64: 5120>}, {pipeline_mode = #tpu.pipeline_mode<synchronous>, transform_indices = @transform_9, window_bounds = array<i64: 5120>}]} {
    %eq3A = arith.constant 0 : i32
    %eq3A_0 = arith.cmpi eq, %arg0, %eq3A : i32
    %convert_element_type3A = arith.extui %eq3A_0 : i1 to i32
    %cond3A = arith.constant 0 : i32
    %cond3A_1 = arith.cmpi ne, %convert_element_type3A, %cond3A : i32
    scf.if %cond3A_1 {
      %broadcast_in_dim3A_144 = arith.constant -1.000000e+00 : f32
      %broadcast_in_dim3A_145 = vector.broadcast %broadcast_in_dim3A_144 : f32 to vector<1x8832xf32>
      %swap3A_146 = arith.constant 0 : index
      %swap3A_147 = arith.constant 0 : index
      %swap3A_148 = vector.load %arg11[%swap3A_146, %swap3A_147] : memref<1x8832xf32, #tpu.memory_space<vmem>>, vector<1x8832xf32>
      tpu.vector_store %arg11[%swap3A_146, %swap3A_147], %broadcast_in_dim3A_145 {strides = array<i32>} : memref<1x8832xf32, #tpu.memory_space<vmem>>, vector<1x8832xf32>,
      %broadcast_in_dim3A_149 = arith.constant 0 : i32
      %broadcast_in_dim3A_150 = vector.broadcast %broadcast_in_dim3A_149 : i32 to vector<1x8832xi32>
      %swap3A_151 = arith.constant 0 : index
      %swap3A_152 = arith.constant 0 : index
      %swap3A_153 = vector.load %arg12[%swap3A_151, %swap3A_152] : memref<1x8832xi32, #tpu.memory_space<vmem>>, vector<1x8832xi32>
      tpu.vector_store %arg12[%swap3A_151, %swap3A_152], %broadcast_in_dim3A_150 {strides = array<i32>} : memref<1x8832xi32, #tpu.memory_space<vmem>>, vector<1x8832xi32>,
      %broadcast_in_dim3A_154 = arith.constant -1 : i32
      %broadcast_in_dim3A_155 = vector.broadcast %broadcast_in_dim3A_154 : i32 to vector<1x8832xi32>
      %swap3A_156 = arith.constant 0 : index
      %swap3A_157 = arith.constant 0 : index
      %swap3A_158 = vector.load %arg13[%swap3A_156, %swap3A_157] : memref<1x8832xi32, #tpu.memory_space<vmem>>, vector<1x8832xi32>
      tpu.vector_store %arg13[%swap3A_156, %swap3A_157], %broadcast_in_dim3A_155 {strides = array<i32>} : memref<1x8832xi32, #tpu.memory_space<vmem>>, vector<1x8832xi32>,
      %get3A_159 = arith.constant 0 : index
      %get3A_160 = arith.constant 0 : index
      %get3A_161 = vector.load %arg2[%get3A_159, %get3A_160] : memref<4x5120xf32, #tpu.memory_space<vmem>>, vector<1x5120xf32>
      %get3A_162 = arith.constant 1 : index
      %get3A_163 = arith.constant 0 : index
      %get3A_164 = vector.load %arg2[%get3A_162, %get3A_163] : memref<4x5120xf32, #tpu.memory_space<vmem>>, vector<1x5120xf32>
      %get3A_165 = arith.constant 2 : index
      %get3A_166 = arith.constant 0 : index
      %get3A_167 = vector.load %arg2[%get3A_165, %get3A_166] : memref<4x5120xf32, #tpu.memory_space<vmem>>, vector<1x5120xf32>
      %get3A_168 = arith.constant 3 : index
      %get3A_169 = arith.constant 0 : index
      %get3A_170 = vector.load %arg2[%get3A_168, %get3A_169] : memref<4x5120xf32, #tpu.memory_space<vmem>>, vector<1x5120xf32>
      %add3A_171 = arith.addf %get3A_161, %get3A_167 : vector<1x5120xf32>
      %div3A_172 = arith.constant 2.000000e+00 : f32
      %div3A_173 = vector.broadcast %div3A_172 : f32 to vector<1x5120xf32>
      %div3A_174 = arith.divf %add3A_171, %div3A_173 : vector<1x5120xf32>
      %div3A_175 = arith.constant 3.000000e+02 : f32
      %div3A_176 = vector.broadcast %div3A_175 : f32 to vector<1x5120xf32>
      %div3A_177 = arith.divf %div3A_174, %div3A_176 : vector<1x5120xf32>
      %reshape3A_178 = vector.shape_cast %div3A_177 : vector<1x5120xf32> to vector<5120xf32>
      %swap3A_179 = arith.constant 0 : index
      %swap3A_180 = vector.load %arg7[%swap3A_179] : memref<5120xf32, #tpu.memory_space<vmem>>, vector<5120xf32>
      tpu.vector_store %arg7[%swap3A_179], %reshape3A_178 {strides = array<i32>} : memref<5120xf32, #tpu.memory_space<vmem>>, vector<5120xf32>,
      %add3A_181 = arith.addf %get3A_164, %get3A_170 : vector<1x5120xf32>
      %div3A_182 = arith.constant 2.000000e+00 : f32
      %div3A_183 = vector.broadcast %div3A_182 : f32 to vector<1x5120xf32>
      %div3A_184 = arith.divf %add3A_181, %div3A_183 : vector<1x5120xf32>
      %div3A_185 = arith.constant 3.000000e+02 : f32
      %div3A_186 = vector.broadcast %div3A_185 : f32 to vector<1x5120xf32>
      %div3A_187 = arith.divf %div3A_184, %div3A_186 : vector<1x5120xf32>
      %reshape3A_188 = vector.shape_cast %div3A_187 : vector<1x5120xf32> to vector<5120xf32>
      %swap3A_189 = arith.constant 0 : index
      %swap3A_190 = vector.load %arg8[%swap3A_189] : memref<5120xf32, #tpu.memory_space<vmem>>, vector<5120xf32>
      tpu.vector_store %arg8[%swap3A_189], %reshape3A_188 {strides = array<i32>} : memref<5120xf32, #tpu.memory_space<vmem>>, vector<5120xf32>,
      %sub3A_191 = arith.subf %get3A_167, %get3A_161 : vector<1x5120xf32>
      %div3A_192 = arith.constant 3.000000e+02 : f32
      %div3A_193 = vector.broadcast %div3A_192 : f32 to vector<1x5120xf32>
      %div3A_194 = arith.divf %sub3A_191, %div3A_193 : vector<1x5120xf32>
      %log3A = math.log %div3A_194 : vector<1x5120xf32>
      %reshape3A_195 = vector.shape_cast %log3A : vector<1x5120xf32> to vector<5120xf32>
      %swap3A_196 = arith.constant 0 : index
      %swap3A_197 = vector.load %arg9[%swap3A_196] : memref<5120xf32, #tpu.memory_space<vmem>>, vector<5120xf32>
      tpu.vector_store %arg9[%swap3A_196], %reshape3A_195 {strides = array<i32>} : memref<5120xf32, #tpu.memory_space<vmem>>, vector<5120xf32>,
      %sub3A_198 = arith.subf %get3A_170, %get3A_164 : vector<1x5120xf32>
      %div3A_199 = arith.constant 3.000000e+02 : f32
      %div3A_200 = vector.broadcast %div3A_199 : f32 to vector<1x5120xf32>
      %div3A_201 = arith.divf %sub3A_198, %div3A_200 : vector<1x5120xf32>
      %log3A_202 = math.log %div3A_201 : vector<1x5120xf32>
      %reshape3A_203 = vector.shape_cast %log3A_202 : vector<1x5120xf32> to vector<5120xf32>
      %swap3A_204 = arith.constant 0 : index
      %swap3A_205 = vector.load %arg10[%swap3A_204] : memref<5120xf32, #tpu.memory_space<vmem>>, vector<5120xf32>
      tpu.vector_store %arg10[%swap3A_204], %reshape3A_203 {strides = array<i32>} : memref<5120xf32, #tpu.memory_space<vmem>>, vector<5120xf32>,
    } else {
    }
    %get3A = arith.constant 0 : index
    %get3A_2 = arith.constant 0 : index
    %get3A_3 = vector.load %arg3[%get3A, %get3A_2] : memref<4x9216xf32, #tpu.memory_space<vmem>>, vector<1x8832xf32>
    %get3A_4 = arith.constant 1 : index
    %get3A_5 = arith.constant 0 : index
    %get3A_6 = vector.load %arg3[%get3A_4, %get3A_5] : memref<4x9216xf32, #tpu.memory_space<vmem>>, vector<1x8832xf32>
    %get3A_7 = arith.constant 2 : index
    %get3A_8 = arith.constant 0 : index
    %get3A_9 = vector.load %arg3[%get3A_7, %get3A_8] : memref<4x9216xf32, #tpu.memory_space<vmem>>, vector<1x8832xf32>
    %get3A_10 = arith.constant 3 : index
    %get3A_11 = arith.constant 0 : index
    %get3A_12 = vector.load %arg3[%get3A_10, %get3A_11] : memref<4x9216xf32, #tpu.memory_space<vmem>>, vector<1x8832xf32>
    %div3A = arith.constant 2.000000e+00 : f32
    %div3A_13 = vector.broadcast %div3A : f32 to vector<1x8832xf32>
    %div3A_14 = arith.divf %get3A_9, %div3A_13 : vector<1x8832xf32>
    %sub3A = arith.subf %get3A_3, %div3A_14 : vector<1x8832xf32>
    %mul3A = arith.constant 3.000000e+02 : f32
    %mul3A_15 = vector.broadcast %mul3A : f32 to vector<1x8832xf32>
    %mul3A_16 = arith.mulf %sub3A, %mul3A_15 : vector<1x8832xf32>
    %div3A_17 = arith.constant 2.000000e+00 : f32
    %div3A_18 = vector.broadcast %div3A_17 : f32 to vector<1x8832xf32>
    %div3A_19 = arith.divf %get3A_12, %div3A_18 : vector<1x8832xf32>
    %sub3A_20 = arith.subf %get3A_6, %div3A_19 : vector<1x8832xf32>
    %mul3A_21 = arith.constant 3.000000e+02 : f32
    %mul3A_22 = vector.broadcast %mul3A_21 : f32 to vector<1x8832xf32>
    %mul3A_23 = arith.mulf %sub3A_20, %mul3A_22 : vector<1x8832xf32>
    %div3A_24 = arith.constant 2.000000e+00 : f32
    %div3A_25 = vector.broadcast %div3A_24 : f32 to vector<1x8832xf32>
    %div3A_26 = arith.divf %get3A_9, %div3A_25 : vector<1x8832xf32>
    %add3A = arith.addf %get3A_3, %div3A_26 : vector<1x8832xf32>
    %mul3A_27 = arith.constant 3.000000e+02 : f32
    %mul3A_28 = vector.broadcast %mul3A_27 : f32 to vector<1x8832xf32>
    %mul3A_29 = arith.mulf %add3A, %mul3A_28 : vector<1x8832xf32>
    %div3A_30 = arith.constant 2.000000e+00 : f32
    %div3A_31 = vector.broadcast %div3A_30 : f32 to vector<1x8832xf32>
    %div3A_32 = arith.divf %get3A_12, %div3A_31 : vector<1x8832xf32>
    %add3A_33 = arith.addf %get3A_6, %div3A_32 : vector<1x8832xf32>
    %mul3A_34 = arith.constant 3.000000e+02 : f32
    %mul3A_35 = vector.broadcast %mul3A_34 : f32 to vector<1x8832xf32>
    %mul3A_36 = arith.mulf %add3A_33, %mul3A_35 : vector<1x8832xf32>
    %sub3A_37 = arith.subf %mul3A_29, %mul3A_16 : vector<1x8832xf32>
    %sub3A_38 = arith.subf %mul3A_36, %mul3A_23 : vector<1x8832xf32>
    %mul3A_39 = arith.mulf %sub3A_37, %sub3A_38 : vector<1x8832xf32>
    %get3A_40 = arith.constant 0 : index
    %get3A_41 = arith.constant 0 : index
    %get3A_42 = vector.load %arg1[%get3A_40, %get3A_41] : memref<200x4xf32, #tpu.memory_space<vmem>>, vector<200x1xf32>
    %get3A_43 = arith.constant 0 : index
    %get3A_44 = arith.constant 1 : index
    %get3A_45 = vector.load %arg1[%get3A_43, %get3A_44] : memref<200x4xf32, #tpu.memory_space<vmem>>, vector<200x1xf32>
    %get3A_46 = arith.constant 0 : index
    %get3A_47 = arith.constant 2 : index
    %get3A_48 = vector.load %arg1[%get3A_46, %get3A_47] : memref<200x4xf32, #tpu.memory_space<vmem>>, vector<200x1xf32>
    %get3A_49 = arith.constant 0 : index
    %get3A_50 = arith.constant 3 : index
    %get3A_51 = vector.load %arg1[%get3A_49, %get3A_50] : memref<200x4xf32, #tpu.memory_space<vmem>>, vector<200x1xf32>
    %sub3A_52 = arith.subf %get3A_48, %get3A_42 : vector<200x1xf32>
    %sub3A_53 = arith.subf %get3A_51, %get3A_45 : vector<200x1xf32>
    %mul3A_54 = arith.mulf %sub3A_52, %sub3A_53 : vector<200x1xf32>
    %min3A = vector.broadcast %get3A_48 : vector<200x1xf32> to vector<200x8832xf32>
    %min3A_55 = vector.broadcast %mul3A_29 : vector<1x8832xf32> to vector<200x8832xf32>
    %min3A_56 = arith.minimumf %min3A, %min3A_55 : vector<200x8832xf32>
    %max3A = vector.broadcast %get3A_42 : vector<200x1xf32> to vector<200x8832xf32>
    %max3A_57 = vector.broadcast %mul3A_16 : vector<1x8832xf32> to vector<200x8832xf32>
    %max3A_58 = arith.maximumf %max3A, %max3A_57 : vector<200x8832xf32>
    %sub3A_59 = arith.subf %min3A_56, %max3A_58 : vector<200x8832xf32>
    %jit3A = arith.constant 0.000000e+00 : f32
    %max3A_60 = vector.broadcast %jit3A : f32 to vector<200x8832xf32>
    %max3A_61 = arith.maximumf %max3A_60, %sub3A_59 : vector<200x8832xf32>
    %min3A_62 = vector.broadcast %get3A_51 : vector<200x1xf32> to vector<200x8832xf32>
    %min3A_63 = vector.broadcast %mul3A_36 : vector<1x8832xf32> to vector<200x8832xf32>
    %min3A_64 = arith.minimumf %min3A_62, %min3A_63 : vector<200x8832xf32>
    %max3A_65 = vector.broadcast %get3A_45 : vector<200x1xf32> to vector<200x8832xf32>
    %max3A_66 = vector.broadcast %mul3A_23 : vector<1x8832xf32> to vector<200x8832xf32>
    %max3A_67 = arith.maximumf %max3A_65, %max3A_66 : vector<200x8832xf32>
    %sub3A_68 = arith.subf %min3A_64, %max3A_67 : vector<200x8832xf32>
    %jit3A_69 = arith.constant 0.000000e+00 : f32
    %max3A_70 = vector.broadcast %jit3A_69 : f32 to vector<200x8832xf32>
    %max3A_71 = arith.maximumf %max3A_70, %sub3A_68 : vector<200x8832xf32>
    %mul3A_72 = arith.mulf %max3A_61, %max3A_71 : vector<200x8832xf32>
    %add3A_73 = vector.broadcast %mul3A_54 : vector<200x1xf32> to vector<200x8832xf32>
    %add3A_74 = vector.broadcast %mul3A_39 : vector<1x8832xf32> to vector<200x8832xf32>
    %add3A_75 = arith.addf %add3A_73, %add3A_74 : vector<200x8832xf32>
    %sub3A_76 = arith.subf %add3A_75, %mul3A_72 : vector<200x8832xf32>
    %div3A_77 = arith.divf %mul3A_72, %sub3A_76 : vector<200x8832xf32>
    %iota3A = tpu.iota {dimensions = array<i32: 0>} : vector<200x1xi32>
    %iota3A_78 = tpu.iota {dimensions = array<i32: 1>} : vector<1x8832xi32>
    %reduce_max3A = arith.constant dense<0xFF800000> : vector<8832xf32>
    %reduce_max3A_79 = vector.multi_reduction <maximumf>, %div3A_77, %reduce_max3A [0] : vector<200x8832xf32> to vector<8832xf32>
    %broadcast_in_dim3A = vector.shape_cast %reduce_max3A_79 : vector<8832xf32> to vector<1x8832xf32>
    %argmax3A = tpu.reduce_index %div3A_77 {axis = 0 : i32, kind = #tpu.reduction_kind<arg_max>} : vector<200x8832xf32> -> vector<8832xi32>
    %reshape3A = vector.shape_cast %argmax3A : vector<8832xi32> to vector<1x8832xi32>
    %mul3A_80 = arith.constant 200 : i32
    %mul3A_81 = arith.muli %arg0, %mul3A_80 : i32
    %add3A_82 = vector.broadcast %mul3A_81 : i32 to vector<1x8832xi32>
    %add3A_83 = arith.addi %reshape3A, %add3A_82 : vector<1x8832xi32>
    %get3A_84 = arith.constant 0 : index
    %get3A_85 = arith.constant 0 : index
    %get3A_86 = vector.load %arg11[%get3A_84, %get3A_85] : memref<1x8832xf32, #tpu.memory_space<vmem>>, vector<1x8832xf32>
    %gt3A = arith.cmpf ogt, %broadcast_in_dim3A, %get3A_86 : vector<1x8832xf32>
    %get3A_87 = arith.constant 0 : index
    %get3A_88 = arith.constant 0 : index
    %get3A_89 = vector.load %arg11[%get3A_87, %get3A_88] : memref<1x8832xf32, #tpu.memory_space<vmem>>, vector<1x8832xf32>
    %select_n3A = arith.select %gt3A, %broadcast_in_dim3A, %get3A_89 : vector<1x8832xi1>, vector<1x8832xf32>
    %swap3A = arith.constant 0 : index
    %swap3A_90 = arith.constant 0 : index
    %swap3A_91 = vector.load %arg11[%swap3A, %swap3A_90] : memref<1x8832xf32, #tpu.memory_space<vmem>>, vector<1x8832xf32>
    tpu.vector_store %arg11[%swap3A, %swap3A_90], %select_n3A {strides = array<i32>} : memref<1x8832xf32, #tpu.memory_space<vmem>>, vector<1x8832xf32>,
    %get3A_92 = arith.constant 0 : index
    %get3A_93 = arith.constant 0 : index
    %get3A_94 = vector.load %arg12[%get3A_92, %get3A_93] : memref<1x8832xi32, #tpu.memory_space<vmem>>, vector<1x8832xi32>
    %select_n3A_95 = arith.select %gt3A, %add3A_83, %get3A_94 : vector<1x8832xi1>, vector<1x8832xi32>
    %swap3A_96 = arith.constant 0 : index
    %swap3A_97 = arith.constant 0 : index
    %swap3A_98 = vector.load %arg12[%swap3A_96, %swap3A_97] : memref<1x8832xi32, #tpu.memory_space<vmem>>, vector<1x8832xi32>
    tpu.vector_store %arg12[%swap3A_96, %swap3A_97], %select_n3A_95 {strides = array<i32>} : memref<1x8832xi32, #tpu.memory_space<vmem>>, vector<1x8832xi32>,
    %reduce_max3A_99 = arith.constant dense<0xFF800000> : vector<200xf32>
    %reduce_max3A_100 = vector.multi_reduction <maximumf>, %div3A_77, %reduce_max3A_99 [1] : vector<200x8832xf32> to vector<200xf32>
    %broadcast_in_dim3A_101 = vector.shape_cast %reduce_max3A_100 : vector<200xf32> to vector<200x1xf32>
    %eq3A_102 = vector.broadcast %broadcast_in_dim3A_101 : vector<200x1xf32> to vector<200x8832xf32>
    %eq3A_103 = arith.cmpf oeq, %div3A_77, %eq3A_102 : vector<200x8832xf32>
    %jit3A_104 = arith.constant 8832 : i32
    %broadcast_in_dim3A_105 = vector.shape_cast %iota3A_78 : vector<1x8832xi32> to vector<1x8832xi32>
    %broadcast_in_dim3A_106 = vector.broadcast %broadcast_in_dim3A_105 : vector<1x8832xi32> to vector<200x8832xi32>
    %broadcast_in_dim3A_107 = vector.broadcast %jit3A_104 : i32 to vector<200x8832xi32>
    %select_n3A_108 = arith.select %eq3A_103, %broadcast_in_dim3A_106, %broadcast_in_dim3A_107 : vector<200x8832xi1>, vector<200x8832xi32>
    %reduce_min3A = arith.constant dense<2147483647> : vector<200xi32>
    %reduce_min3A_109 = vector.multi_reduction <minsi>, %select_n3A_108, %reduce_min3A [1] : vector<200x8832xi32> to vector<200xi32>
    %broadcast_in_dim3A_110 = vector.shape_cast %reduce_min3A_109 : vector<200xi32> to vector<200x1xi32>
    %gt3A_111 = arith.constant 0.000000e+00 : f32
    %gt3A_112 = vector.broadcast %gt3A_111 : f32 to vector<200x1xf32>
    %gt3A_113 = arith.cmpf ogt, %broadcast_in_dim3A_101, %gt3A_112 : vector<200x1xf32>
    %mul3A_114 = arith.constant 200 : i32
    %mul3A_115 = arith.muli %arg0, %mul3A_114 : i32
    %add3A_116 = vector.broadcast %mul3A_115 : i32 to vector<200x1xi32>
    %add3A_117 = arith.addi %iota3A, %add3A_116 : vector<200x1xi32>
    %jit3A_118 = arith.constant -1 : i32
    %broadcast_in_dim3A_119 = vector.broadcast %jit3A_118 : i32 to vector<200x1xi32>
    %select_n3A_120 = arith.select %gt3A_113, %add3A_117, %broadcast_in_dim3A_119 : vector<200x1xi1>, vector<200x1xi32>
    %eq3A_121 = vector.broadcast %iota3A_78 : vector<1x8832xi32> to vector<200x8832xi32>
    %eq3A_122 = vector.broadcast %broadcast_in_dim3A_110 : vector<200x1xi32> to vector<200x8832xi32>
    %eq3A_123 = arith.cmpi eq, %eq3A_121, %eq3A_122 : vector<200x8832xi32>
    %jit3A_124 = arith.constant -1 : i32
    %broadcast_in_dim3A_125 = vector.shape_cast %select_n3A_120 : vector<200x1xi32> to vector<200x1xi32>
    %broadcast_in_dim3A_126 = vector.broadcast %broadcast_in_dim3A_125 : vector<200x1xi32> to vector<200x8832xi32>
    %broadcast_in_dim3A_127 = vector.broadcast %jit3A_124 : i32 to vector<200x8832xi32>
    %select_n3A_128 = arith.select %eq3A_123, %broadcast_in_dim3A_126, %broadcast_in_dim3A_127 : vector<200x8832xi1>, vector<200x8832xi32>
    %get3A_129 = arith.constant 0 : index
    %get3A_130 = arith.constant 0 : index
    %get3A_131 = vector.load %arg13[%get3A_129, %get3A_130] : memref<1x8832xi32, #tpu.memory_space<vmem>>, vector<1x8832xi32>
    %reduce_max3A_132 = arith.constant dense<-2147483648> : vector<8832xi32>
    %reduce_max3A_133 = vector.multi_reduction <maxsi>, %select_n3A_128, %reduce_max3A_132 [0] : vector<200x8832xi32> to vector<8832xi32>
    %broadcast_in_dim3A_134 = vector.shape_cast %reduce_max3A_133 : vector<8832xi32> to vector<1x8832xi32>
    %max3A_135 = arith.maxsi %get3A_131, %broadcast_in_dim3A_134 : vector<1x8832xi32>
    %swap3A_136 = arith.constant 0 : index
    %swap3A_137 = arith.constant 0 : index
    %swap3A_138 = vector.load %arg13[%swap3A_136, %swap3A_137] : memref<1x8832xi32, #tpu.memory_space<vmem>>, vector<1x8832xi32>
    tpu.vector_store %arg13[%swap3A_136, %swap3A_137], %max3A_135 {strides = array<i32>} : memref<1x8832xi32, #tpu.memory_space<vmem>>, vector<1x8832xi32>,
    %eq3A_139 = arith.constant 24 : i32
    %eq3A_140 = arith.cmpi eq, %arg0, %eq3A_139 : i32
    %convert_element_type3A_141 = arith.extui %eq3A_140 : i1 to i32
    %cond3A_142 = arith.constant 0 : i32
    %cond3A_143 = arith.cmpi ne, %convert_element_type3A_141, %cond3A_142 : i32
    scf.if %cond3A_143 {
      %get3A_144 = arith.constant 0 : index
      %get3A_145 = arith.constant 0 : index
      %get3A_146 = vector.load %arg11[%get3A_144, %get3A_145] : memref<1x8832xf32, #tpu.memory_space<vmem>>, vector<1x8832xf32>
      %ge3A = arith.constant 5.000000e-01 : f32
      %ge3A_147 = vector.broadcast %ge3A : f32 to vector<1x8832xf32>
      %ge3A_148 = arith.cmpf oge, %get3A_146, %ge3A_147 : vector<1x8832xf32>
      %get3A_149 = arith.constant 0 : index
      %get3A_150 = arith.constant 0 : index
      %get3A_151 = vector.load %arg12[%get3A_149, %get3A_150] : memref<1x8832xi32, #tpu.memory_space<vmem>>, vector<1x8832xi32>
      %jit3A_152 = arith.constant -1 : i32
      %broadcast_in_dim3A_153 = vector.broadcast %jit3A_152 : i32 to vector<1x8832xi32>
      %select_n3A_154 = arith.select %ge3A_148, %get3A_151, %broadcast_in_dim3A_153 : vector<1x8832xi1>, vector<1x8832xi32>
      %get3A_155 = arith.constant 0 : index
      %get3A_156 = arith.constant 0 : index
      %get3A_157 = vector.load %arg13[%get3A_155, %get3A_156] : memref<1x8832xi32, #tpu.memory_space<vmem>>, vector<1x8832xi32>
      %ge3A_158 = arith.constant 0 : i32
      %ge3A_159 = vector.broadcast %ge3A_158 : i32 to vector<1x8832xi32>
      %ge3A_160 = arith.cmpi sge, %get3A_157, %ge3A_159 : vector<1x8832xi32>
      %select_n3A_161 = arith.select %ge3A_160, %get3A_157, %select_n3A_154 : vector<1x8832xi1>, vector<1x8832xi32>
      %reshape3A_162 = vector.shape_cast %select_n3A_161 : vector<1x8832xi32> to vector<8832xi32>
      %swap3A_163 = arith.constant 0 : index
      %swap3A_164 = vector.load %arg4[%swap3A_163] : memref<9216xi32, #tpu.memory_space<vmem>>, vector<8832xi32>
      tpu.vector_store %arg4[%swap3A_163], %reshape3A_162 {strides = array<i32>} : memref<9216xi32, #tpu.memory_space<vmem>>, vector<8832xi32>,
      %broadcast_in_dim3A_165 = arith.constant -1 : i32
      %broadcast_in_dim3A_166 = vector.broadcast %broadcast_in_dim3A_165 : i32 to vector<384xi32>
      %swap3A_167 = arith.constant 8832 : index
      %swap3A_168 = vector.load %arg4[%swap3A_167] : memref<9216xi32, #tpu.memory_space<vmem>>, vector<384xi32>
      tpu.vector_store %arg4[%swap3A_167], %broadcast_in_dim3A_166 {strides = array<i32>} : memref<9216xi32, #tpu.memory_space<vmem>>, vector<384xi32>,
      %get3A_169 = arith.constant 2 : index
      %get3A_170 = arith.constant 0 : index
      %get3A_171 = vector.load %arg3[%get3A_169, %get3A_170] : memref<4x9216xf32, #tpu.memory_space<vmem>>, vector<1x9216xf32>
      %log3A = math.log %get3A_171 : vector<1x9216xf32>
      %reshape3A_172 = vector.shape_cast %log3A : vector<1x9216xf32> to vector<9216xf32>
      %swap3A_173 = arith.constant 0 : index
      %swap3A_174 = vector.load %arg5[%swap3A_173] : memref<9216xf32, #tpu.memory_space<vmem>>, vector<9216xf32>
      tpu.vector_store %arg5[%swap3A_173], %reshape3A_172 {strides = array<i32>} : memref<9216xf32, #tpu.memory_space<vmem>>, vector<9216xf32>,
      %get3A_175 = arith.constant 3 : index
      %get3A_176 = arith.constant 0 : index
      %get3A_177 = vector.load %arg3[%get3A_175, %get3A_176] : memref<4x9216xf32, #tpu.memory_space<vmem>>, vector<1x9216xf32>
      %log3A_178 = math.log %get3A_177 : vector<1x9216xf32>
      %reshape3A_179 = vector.shape_cast %log3A_178 : vector<1x9216xf32> to vector<9216xf32>
      %swap3A_180 = arith.constant 0 : index
      %swap3A_181 = vector.load %arg6[%swap3A_180] : memref<9216xf32, #tpu.memory_space<vmem>>, vector<9216xf32>
      tpu.vector_store %arg6[%swap3A_180], %reshape3A_179 {strides = array<i32>} : memref<9216xf32, #tpu.memory_space<vmem>>, vector<9216xf32>,
    } else {
    }
    return
  }
  func.func @transform_0(%arg0: i32) -> (i32, i32) {
    %c0_i32 = arith.constant 0 : i32
    %c0_i32_0 = arith.constant 0 : i32
    return %arg0, %c0_i32 : i32, i32
  }
  func.func @transform_1(%arg0: i32) -> (i32, i32) {
    %c0_i32 = arith.constant 0 : i32
    %c0_i32_0 = arith.constant 0 : i32
    %c0_i32_1 = arith.constant 0 : i32
    return %c0_i32, %c0_i32_0 : i32, i32
  }
  func.func @transform_2(%arg0: i32) -> (i32, i32) {
    %c0_i32 = arith.constant 0 : i32
    %c0_i32_0 = arith.constant 0 : i32
    %c0_i32_1 = arith.constant 0 : i32
    return %c0_i32, %c0_i32_0 : i32, i32
  }
  func.func @transform_3(%arg0: i32) -> i32 {
    %c0_i32 = arith.constant 0 : i32
    %c0_i32_0 = arith.constant 0 : i32
    return %c0_i32 : i32
  }
  func.func @transform_4(%arg0: i32) -> i32 {
    %c0_i32 = arith.constant 0 : i32
    %c0_i32_0 = arith.constant 0 : i32
    return %c0_i32 : i32
  }
  func.func @transform_5(%arg0: i32) -> i32 {
    %c0_i32 = arith.constant 0 : i32
    %c0_i32_0 = arith.constant 0 : i32
    return %c0_i32 : i32
  }
  func.func @transform_6(%arg0: i32) -> i32 {
    %c0_i32 = arith.constant 0 : i32
    %c0_i32_0 = arith.constant 0 : i32
    return %c0_i32 : i32
  }
  func.func @transform_7(%arg0: i32) -> i32 {
    %c0_i32 = arith.constant 0 : i32
    %c0_i32_0 = arith.constant 0 : i32
    return %c0_i32 : i32
  }
  func.func @transform_8(%arg0: i32) -> i32 {
    %c0_i32 = arith.constant 0 : i32
    %c0_i32_0 = arith.constant 0 : i32
    return %c0_i32 : i32
  }
  func.func @transform_9(%arg0: i32) -> i32 {
    %c0_i32 = arith.constant 0 : i32
    %c0_i32_0 = arith.constant 0 : i32
    return %c0_i32 : i32
  }
}

</mosaic_0001>

<sc_bundles>
// kernel: kernel.4.cloned.1.call-start
scs
__scs_entry_jumppad:
0x0: {  	(pc) =	sbr.rel $0x88, $3  }
0x1: {  	(tag) =	ssettag $0x0;
	lr =	simm.s32 $0x1  }
0x2: {  	[smem:$0x3F9E] =	sst lr;
	_ =	strace $0xD0000000  }
0x3: {  	_ = 	snop  }
0x4: {  	_ = 	snop  }
0x5: {  	_ = 	snop  }
0x6: {  	_ = 	snop  }
0x7: {  	_ = 	snop  }
__scs_overlays_trampoline_lowered:
0x8: {  	[smem:$0x3FAD] =	sst s0  }
0x9: {  	[smem:$0x3FAE] =	sst s1  }
0xa: {  	[smem:$0x3FAF] =	sst s2  }
0xb: {  	[smem:$0x3FB0] =	sst s3  }
0xc: {  	[smem:$0x3FB1] =	sst s4  }
0xd: {  	[smem:$0x3FB2] =	sst s5  }
0xe: {  	[smem:$0x3FB3] =	sst s6  }
0xf: {  	[smem:$0x3FB4] =	sst s7  }
0x10: {  	[smem:$0x3FB5] =	sst s8  }
0x11: {  	[smem:$0x3FB6] =	sst s9;
	s0 =	simm.s32 @!p0 $0x0  }
0x12: {  	s1 =	sld [smem:$0x3F9C];
	s0 =	simm.s32 @p0 $0x1  }
0x13: {  	[smem:$0x3FB7] =	sst s0;
	s0 =	simm.s32 @!p1 $0x0  }
0x14: {  	s2 =	sld [smem:$0x3F9B];
	s0 =	simm.s32 @p1 $0x1  }
0x15: {  	[smem:$0x3FB8] =	sst s0;
	s0 =	simm.s32 @!p2 $0x0  }
0x16: {  	s3 =	sld [smem:$0x3FDB];
	s0 =	simm.s32 @p2 $0x1  }
0x17: {  	s4 =	simm.s32 $0x1BF5;
	[smem:$0x3FBA] =	sst s0  }
0x18: {  	s0 =	sld [smem:$0x3F9D];
	_ =	swait.ge [sflag:s4], $0x0  }
0x19: {  	s7 =	sld [smem:$0x3F9E]  }
0x1a: {  	s8 =	sadd.s32 $0xFFFFE003, lr  }
0x1b: {  	s9 =	sadd.s32 $0xFFFFFEF7, lr;
	s5 =	simm.s32 $0xFFFFFFFF;
	p2 =	slt.u32 s8, $0xFFFFF086  }
0x1c: {  	p1 =	slt.u32 s9, $0xF7A;
	s5 =	simm.s32 @!p2 $0x0  }
0x1d: {  	s5 =	simm.s32 @p1 $0x1;
	p0 =	seq.s32 s7, s2  }
0x1e: {  	s7 =	smul.u32 @!p0 $0xF7A, s2;
	p2 =	seq.s32 @!p0 s5, $0x0  }
0x1f: {  	s9 =	smul.u32 $0xF7A, s1;
	s8 =	simm.s32 @!p0 $0x1BF5;
	p2 =	por !p2, p0  }
0x20: {  	[sflag:s8] =	ssyncset.s32 @!p0 $0xFFFFF086;
	s6 =	sadd.s32 @!p0 s3, s7;
	s7 =	simm.s32 @!p0 $0x108  }
0x21: {  	s3 =	sadd.s32 s3, s9;
	s6 =	sadd.s32 @!p0 $0x88, s6;
	s7 =	simm.s32 @p2 $0x1082  }
0x22: {  	[simem:s7], [sflag:s8] =	dma.local @!p0 [hbm:s6], $0xF7A  }
0x23: {  	s9 =	sor.u32 $0xD0000000, s2;
	s6 =	simm.s32 $0x108;
	_ =	swait.ge @!p0 [sflag:s8], $0x0  }
0x24: {  	s3 =	sadd.s32 $0x88, s3;
	s6 =	simm.s32 @!p1 $0x1082;
	[sflag:s4] =	ssyncset.s32 $0xFFFFF086  }
0x25: {  	[simem:s6], [sflag:s4] =	dma.local [hbm:s3], $0xF7A  }
0x26: {  	[smem:$0x3F9E] =	sst s1;
	(tag) =	ssettag s2;
	_ =	strace s9  }
0x27: {  	s1 =	sld [smem:$0x3FAE]  }
0x28: {  	s2 =	sld [smem:$0x3FAF]  }
0x29: {  	s4 =	sld [smem:$0x3FB1]  }
0x2a: {  	p0 =	seq.s32 s5, $0x0;
	s5 =	sld [smem:$0x3FB2]  }
0x2b: {  	s6 =	sld [smem:$0x3FB3]  }
0x2c: {  	s7 =	sld [smem:$0x3FB4]  }
0x2d: {  	s3 =	simm.s32 $0x108;
	s8 =	sld [smem:$0x3FB5]  }
0x2e: {  	s3 =	simm.s32 @!p0 $0x1082;
	s9 =	sld [smem:$0x3FB6]  }
0x2f: {  	lr =	sadd.s32 s0, s3;
	s0 =	sld [smem:$0x3FAD]  }
0x30: {  	s3 =	sld [smem:$0x3FB0]  }
0x31: {  	[smem:$0x3FB9] =	sst s10  }
0x32: {  	s10 =	sld [smem:$0x3FB7];
	_ =	sdelay $0x3  }
0x33: {  	p0 =	seq.s32 s10, $0x1;
	s10 =	sld [smem:$0x3FB9];
	_ =	sdelay $0x3  }
0x34: {  	[smem:$0x3FB9] =	sst s10  }
0x35: {  	s10 =	sld [smem:$0x3FB8];
	_ =	sdelay $0x3  }
0x36: {  	p1 =	seq.s32 s10, $0x1;
	s10 =	sld [smem:$0x3FB9];
	_ =	sdelay $0x3  }
0x37: {  	[smem:$0x3FB9] =	sst s10  }
0x38: {  	s10 =	sld [smem:$0x3FBA]  }
0x39: {  	_ = 	snop;
	(pc) =	sbr.ind lr, $3  }
0x3a: {  	_ = 	snop  }
0x3b: {  	_ = 	snop  }
0x3c: {  	p2 =	seq.s32 s10, $0x1;
	s10 =	sld [smem:$0x3FB9]  }
0x3d: {  	_ =	shalt  }
0x3e: {  	_ =	shalt  }
0x3f: {  	_ =	shalt  }
0x40: {  	_ =	shalt  }
0x41: {  	_ =	shalt  }
0x42: {  	_ =	shalt  }
0x43: {  	_ =	shalt  }
0x44: {  	_ =	shalt  }
0x45: {  	_ =	shalt  }
0x46: {  	_ =	shalt  }
0x47: {  	_ =	shalt  }
0x48: {  	_ =	shalt  }
0x49: {  	_ =	shalt  }
0x4a: {  	_ =	shalt  }
0x4b: {  	_ =	shalt  }
0x4c: {  	_ =	shalt  }
0x4d: {  	_ =	shalt  }
0x4e: {  	_ =	shalt  }
0x4f: {  	_ =	shalt  }
0x50: {  	_ =	shalt  }
0x51: {  	_ =	shalt  }
0x52: {  	_ =	shalt  }
0x53: {  	_ =	shalt  }
0x54: {  	_ =	shalt  }
0x55: {  	_ =	shalt  }
0x56: {  	_ =	shalt  }
0x57: {  	_ =	shalt  }
0x58: {  	_ =	shalt  }
0x59: {  	_ =	shalt  }
0x5a: {  	_ =	shalt  }
0x5b: {  	_ =	shalt  }
0x5c: {  	_ =	shalt  }
0x5d: {  	_ =	shalt  }
0x5e: {  	_ =	shalt  }
0x5f: {  	_ =	shalt  }
0x60: {  	_ =	shalt  }
0x61: {  	_ =	shalt  }
0x62: {  	_ =	shalt  }
0x63: {  	_ =	shalt  }
0x64: {  	_ =	shalt  }
0x65: {  	_ =	shalt  }
0x66: {  	_ =	shalt  }
0x67: {  	_ =	shalt  }
0x68: {  	_ =	shalt  }
0x69: {  	_ =	shalt  }
0x6a: {  	_ =	shalt  }
0x6b: {  	_ =	shalt  }
0x6c: {  	_ =	shalt  }
0x6d: {  	_ =	shalt  }
0x6e: {  	_ =	shalt  }
0x6f: {  	_ =	shalt  }
0x70: {  	_ =	shalt  }
0x71: {  	_ =	shalt  }
0x72: {  	_ =	shalt  }
0x73: {  	_ =	shalt  }
0x74: {  	_ =	shalt  }
0x75: {  	_ =	shalt  }
0x76: {  	_ =	shalt  }
0x77: {  	_ =	shalt  }
0x78: {  	_ =	shalt  }
0x79: {  	_ =	shalt  }
0x7a: {  	_ =	shalt  }
0x7b: {  	_ =	shalt  }
0x7c: {  	_ =	shalt  }
0x7d: {  	_ =	shalt  }
0x7e: {  	_ =	shalt  }
0x7f: {  	_ =	shalt  }
0x80: {  	_ =	shalt  }
0x81: {  	_ =	shalt  }
0x82: {  	_ =	shalt  }
0x83: {  	_ =	shalt  }
0x84: {  	_ =	shalt  }
0x85: {  	_ =	shalt  }
0x86: {  	_ =	shalt  }
0x87: {  	_ =	shalt  }
.Lfunc_end0:
.L_simem_size_0:
called_computation_lowered:
.L_overlay_start_0:
0x88: {  	s2 =	sld [smem:$0x3FD9]  }
0x89: {  	s3 =	sld [smem:$0x3FFE];
	_ =	sdelay $0x1  }
0x8a: {  	s1 =	srdreg.scid  }
0x8b: {  	s0 =	sand.u32 $0x1, s1  }
0x8c: {  	s14 =	sshll.u32 s0, $0xA;
	s2 =	sadd.s32 s3, s2  }
0x8d: {  	s2 =	sadd.s32 s2, s14  }
0x8e: {  	[smem:$0x3FC5] =	sst s2  }
0x8f: {  	_ = 	snop  }
0x90: {  	s2 =	sld [smem:$0x3FD0];
	_ =	sdelay $0x2  }
0x91: {  	s15 =	simm.s32 $0xA;
	s4 =	simm.s32 $0x10  }
0x92: {  	[smem:s4], [sflag:s15] =	dma.local [hbm:s2], $0x1  }
0x93: {  	_ =	swait.eq [sflag:s15], $0x1  }
0x94: {  	s16 =	sld [smem:$0x10];
	[sflag:s15] =	ssyncset.done $0x0  }
0x95: {  	s17 =	sld [smem:$0x11];
	[sflag:s15] =	ssyncadd.s32 $0xFFFFFFFF  }
0x96: {  	s18 =	sld [smem:$0x16];
	(tm) =	ssettm $0x1  }
0x97: {  	s5 =	sld [smem:$0x3FFB];
	_ =	sdelay $0x3  }
0x98: {  	_ =	strace s5  }
0x99: {  	s5 =	sld [smem:$0x3FFC];
	_ =	sdelay $0x3  }
0x9a: {  	_ =	strace s5  }
0x9b: {  	s5 =	sld [smem:$0x3FFD];
	_ =	sdelay $0x3  }
0x9c: {  	_ =	strace s5  }
0x9d: {  	_ =	strace $0x8FFFFFFF  }
0x9e: {  	s19 =	sld [smem:$0x3FDB];
	_ =	sdelay $0x1  }
0x9f: {  	s6 =	simm.s32 $_scs_section_size  }
0xa0: {  	s7 =	simm.s32 $_size__tile_overlayer_lowered;
	s8 =	simm.s32 $_tile_overlayer_lowered  }
0xa1: {  	s22 =	simm.s32 $0x1BFF;
	s21 =	sshll.u32 s8, $0x1;
	s5 =	sadd.s32 s6, s19  }
0xa2: {  	s9 =	simm.s32 $0x0;
	s20 =	sshll.u32 s7, $0x1;
	s7 =	sadd.s32 s21, s5  }
0xa3: {  	[timem:s9], [sflag:s22] =	dma.local [hbm:s7], s20  }
0xa4: {  	_ =	swait.ge [sflag:s22], s20  }
0xa5: {  	s6 =	ssub.s32 $0x0, s20;
	[sflag:s22] =	ssyncset.done $0x0  }
0xa6: {  	[sflag:s22] =	ssyncadd.s32 s6;
	_ =	sdelay $0x1  }
0xa7: {  	s23 =	simm.s32 $0x1B8B  }
0xa8: {  	_ =	swait.ge [sflag:s23], $0x1  }
0xa9: {  	[sflag:s23] =	ssyncset.done $0x0  }
0xaa: {  	s25 =	simm.s32 $0x1B8E;
	s24 =	sld [smem:$0x3FFE];
	[sflag:s23] =	ssyncadd.s32 $0xFFFFFFFF  }
0xab: {  	s26 =	simm.s32 $execute0_lowered;
	[smem:$0x3FD2] =	sst s25  }
0xac: {  	s7 =	sshll.u32 s26, $0x1;
	_ =	strace $0x80000046;
	[dreg:$0x1] =	wrdreg $0xFFFFFFFF  }
0xad: {  	s28 =	simm.s32 $_size_execute0_lowered;
	s5 =	sadd.s32 s5, s7;
	[dreg:$0x0] =	wrdreg $0x0  }
0xae: {  	s7 =	sshll.u32 s28, $0x1;
	[dreg:$0x2] =	wrdreg s5  }
0xaf: {  	[dreg:$0x3] =	wrdreg s7  }
0xb0: {  	[dreg:$0x4] =	wrdreg $0xC0  }
0xb1: {  	_ =	task [dreg:s9], $0x5FFFF  }
0xb2: {  	[dreg:$0x1] =	wrdreg $0xFFFFFFFF  }
0xb3: {  	[dreg:$0x0] =	wrdreg $0x60  }
0xb4: {  	[dreg:$0x2] =	wrdreg s18  }
0xb5: {  	[dreg:$0x3] =	wrdreg s17  }
0xb6: {  	[dreg:$0x4] =	wrdreg s24  }
0xb7: {  	[dreg:$0x5] =	wrdreg s16  }
0xb8: {  	[dreg:$0x6] =	wrdreg $0x9  }
0xb9: {  	_ =	task.clear_ibuf [dreg:s9], $0x7FFFF;
	_ =	strace $0x90000046  }
0xba: {  	s29 =	simm.s32 $0x9;
	_ =	strace $0x80000048  }
0xbb: {  	_ =	swait.ge [sflag:s29], $0x1  }
0xbc: {  	[sflag:s29] =	ssyncadd.s32 $0xFFFFFFFF  }
0xbd: {  	_ =	strace $0x90000048  }
0xbe: {  	_ =	sfence  }
0xbf: {  	s30 =	sld [smem:$0x0];
	_ =	sdelay $0x2  }
0xc0: {  	s31 =	sshll.u32 s1, $0xD;
	s1 =	sshrl.u32 s1, $0x2  }
0xc1: {  	s3 =	sand.u32 $0x4000, s31;
	s1 =	sadd.s32 s1, s30  }
0xc2: {  	s0 =	sor.u32 s3, s0;
	s1 =	sshll.u32 s1, $0x11  }
0xc3: {  	s0 =	sor.u32 s1, s0  }
0xc4: {  	s0 =	sadd.s32 $0x8F2B, s0  }
0xc5: {  	[sflag:s0] =	ssyncadd.remote.s32 $0x1  }
0xc6: {  	_ =	sfence.sel $0xFFFF  }
0xc7: {  	[dreg:$0x0] =	wrdreg $0xFFFFFFFF;
	(pc) =	sbr.abs _section_cstart, $3  }
0xc8: {  	[dreg:$0x1] =	wrdreg $0xFFFFFFFF  }
0xc9: {  	_ =	task.clear_ibuf [dreg:s9], $0x2FFFF;
	_ =	strace $0x9FFFFFFF  }
0xca: {  	(tm) =	ssettm $0x7FFFFFFF  }
0xcb: {  	_ =	shalt  }
tec
execute0_lowered:
.L_overlay_start_1:
0x0: {  	(tag) =	ssettag $0x1  }
0x1: {  	s0 =	rddreg [dreg:$0x0]  }
0x2: {  	s21 =	rddreg [dreg:$0x1]  }
0x3: {  	s22 =	rddreg [dreg:$0x2]  }
0x4: {  	s3 =	rddreg [dreg:$0x3];
	s1 =	simm.s32 $0x0  }
0x5: {  	s4 =	srdreg.scid;
	s23 =	stileid.u32;
	s15 =	simm.s32 $0x1  }
0x6: {  	s16 =	simm.s32 $0x1400;
	s17 =	simm.s32 $0x2800;
	s18 =	simm.s32 $0x3C00  }
0x7: {  	s19 =	simm.s32 $0x5000;
	s20 =	simm.s32 $0x6400;
	[dreg:$0x5] =	wrdreg s0  }
0x8: {  	s28 =	simm.s32 $0x6E80;
	s29 =	simm.s32 $0x7000;
	[dreg:$0x6] =	wrdreg s21  }
0x9: {  	s30 =	simm.s32 $0x7180;
	s31 =	simm.s32 $0x7300;
	[smem:$0x7FF] =	sst s1  }
0xa: {  	s2 =	sadd.s32 $0x4800, s22;
	s5 =	sadd.s32 $0x4C00, s22;
	s4 =	sand.u32 $0x1, s4  }
0xb: {  	s6 =	sshll.u32 s23, $0x1;
	s25 =	sadd.s32 $0x3800, s22;
	s21 =	simm.s32 $0x6580  }
0xc: {  	s23 =	simm.s32 $0x6880;
	_ =	strace $0x80000047;
	[dreg:$0x7] =	wrdreg s2  }
0xd: {  	[dreg:$0x8] =	wrdreg s5;
	s24 =	sor.u32 s4, s6;
	s4 =	ssub.s32 $0x2, s4  }
0xe: {  	[dreg:$0x9] =	wrdreg s25;
	s5 =	smul.u32 $0x24, s24;
	s26 =	sshrl.u32 s4, $0x1  }
0xf: {  	s25 =	simm.s32 $0x6B80;
	s24 =	simm.s32 $0x6A00;
	s14 =	ssub.s32 s4, s26  }
0x10: {  	s26 =	simm.s32 $0x6D00;
	s0 =	sadd.s32 s5, s22;
	s3 =	sadd.s32 s3, s5  }
0x11: {  	s14 =	smax.u32 s14, $0x1;
	s22 =	simm.s32 $0x6700;
	[dreg:$0xa] =	wrdreg s3  }
0x12: {  	s3 =	sadd.s32 $0x2600, s0;
	s4 =	sadd.s32 $0x2C00, s0;
	s5 =	sadd.s32 $0x3200, s0  }
0x13: {  	s6 =	sadd.s32 $0x2000, s0;
	s7 =	sadd.s32 $0x3C00, s0;
	s8 =	sadd.s32 $0x4200, s0  }
0x14: {  	s9 =	sadd.s32 $0x5000, s0;
	s10 =	sadd.s32 $0x5600, s0;
	s11 =	sadd.s32 $0x5C00, s0  }
0x15: {  	s12 =	sadd.s32 $0x6200, s0;
	s13 =	sadd.s32 $0x6800, s0;
	s0 =	simm.s32 $0x7480  }
.LBB2_1:
0x16: {  	s2 =	rddreg [dreg:$0x5]  }
0x17: {  	[tilespmem:s1], [sflag:$0x1] =	stream.linear.gather [hbm4b:s2+s1], $0x1400, $0x38;
	[tilespmem:$0x7600] =	vst v63  }
0x18: {  	_ =	swait.ge [sflag:s15], $0x1400  }
0x19: {  	[sflag:s15] =	ssyncset.done $0x0  }
0x1a: {  	s2 =	rddreg [dreg:$0x6];
	[sflag:s15] =	ssyncadd.s32 $0xFFFFEC00  }
0x1b: {  	[tilespmem:s16], [sflag:$0x1] =	stream.linear.gather [hbm4b:s2+s1], $0x1400, $0x38;
	[tilespmem:$0x7600] =	vst v63  }
0x1c: {  	_ =	swait.ge [sflag:s15], $0x1400  }
0x1d: {  	[sflag:s15] =	ssyncset.done $0x0  }
0x1e: {  	s2 =	rddreg [dreg:$0x7];
	[sflag:s15] =	ssyncadd.s32 $0xFFFFEC00  }
0x1f: {  	[tilespmem:s17], [sflag:$0x1] =	stream.linear.gather [hbm4b:s2+s1], $0x1400, $0x38;
	[tilespmem:$0x7600] =	vst v63  }
0x20: {  	_ =	swait.ge [sflag:s15], $0x1400  }
0x21: {  	[sflag:s15] =	ssyncset.done $0x0  }
0x22: {  	s2 =	rddreg [dreg:$0x8];
	[sflag:s15] =	ssyncadd.s32 $0xFFFFEC00  }
0x23: {  	[tilespmem:s18], [sflag:$0x1] =	stream.linear.gather [hbm4b:s2+s1], $0x1400, $0x38;
	[tilespmem:$0x7600] =	vst v63  }
0x24: {  	_ =	swait.ge [sflag:s15], $0x1400  }
0x25: {  	[sflag:s15] =	ssyncset.done $0x0  }
0x26: {  	s2 =	rddreg [dreg:$0x9];
	[sflag:s15] =	ssyncadd.s32 $0xFFFFEC00  }
0x27: {  	[tilespmem:s19], [sflag:$0x1] =	stream.linear.gather [hbm4b:s2+s1], $0x1400, $0x38;
	[tilespmem:$0x7600] =	vst v63  }
0x28: {  	_ =	swait.ge [sflag:s15], $0x1400  }
0x29: {  	[sflag:s15] =	ssyncset.done $0x0  }
0x2a: {  	s2 =	rddreg [dreg:$0xa];
	[sflag:s15] =	ssyncadd.s32 $0xFFFFEC00  }
0x2b: {  	[tilespmem:s20], [sflag:$0x1] =	stream.linear.gather [hbm4b:s2+s1], $0x120, $0x38;
	[tilespmem:$0x7600] =	vst v63  }
0x2c: {  	_ =	swait.ge [sflag:s15], $0x120  }
0x2d: {  	[sflag:s15] =	ssyncset.done $0x0  }
0x2e: {  	[sflag:s15] =	ssyncadd.s32 $0xFFFFFEE0  }
0x2f: {  	[tilespmem:s21], [sflag:$0x1] =	stream.linear.gather [hbm4b:s3+s1], $0x120, $0x38;
	[tilespmem:$0x7600] =	vst v63  }
0x30: {  	_ =	swait.ge [sflag:s15], $0x120  }
0x31: {  	[sflag:s15] =	ssyncset.done $0x0  }
0x32: {  	[sflag:s15] =	ssyncadd.s32 $0xFFFFFEE0  }
0x33: {  	[tilespmem:s22], [sflag:$0x1] =	stream.linear.gather [hbm4b:s4+s1], $0x120, $0x38;
	[tilespmem:$0x7600] =	vst v63  }
0x34: {  	_ =	swait.ge [sflag:s15], $0x120  }
0x35: {  	[sflag:s15] =	ssyncset.done $0x0  }
0x36: {  	[sflag:s15] =	ssyncadd.s32 $0xFFFFFEE0  }
0x37: {  	[tilespmem:s23], [sflag:$0x1] =	stream.linear.gather [hbm4b:s5+s1], $0x120, $0x38;
	[tilespmem:$0x7600] =	vst v63  }
0x38: {  	_ =	swait.ge [sflag:s15], $0x120  }
0x39: {  	[sflag:s15] =	ssyncset.done $0x0  }
0x3a: {  	[sflag:s15] =	ssyncadd.s32 $0xFFFFFEE0  }
0x3b: {  	[tilespmem:s24], [sflag:$0x1] =	stream.linear.gather [hbm4b:s6+s1], $0x120, $0x38;
	[tilespmem:$0x7600] =	vst v63  }
0x3c: {  	_ =	swait.ge [sflag:s15], $0x120  }
0x3d: {  	[sflag:s15] =	ssyncset.done $0x0  }
0x3e: {  	[sflag:s15] =	ssyncadd.s32 $0xFFFFFEE0  }
0x3f: {  	[tilespmem:s25], [sflag:$0x1] =	stream.linear.gather [hbm4b:s7+s1], $0x120, $0x38;
	[tilespmem:$0x7600] =	vst v63  }
0x40: {  	_ =	swait.ge [sflag:s15], $0x120  }
0x41: {  	[sflag:s15] =	ssyncset.done $0x0  }
0x42: {  	[sflag:s15] =	ssyncadd.s32 $0xFFFFFEE0  }
0x43: {  	[tilespmem:s26], [sflag:$0x1] =	stream.linear.gather [hbm4b:s8+s1], $0x120, $0x38;
	[tilespmem:$0x7600] =	vst v63  }
0x44: {  	_ =	swait.ge [sflag:s15], $0x120  }
0x45: {  	[sflag:s15] =	ssyncset.done $0x0  }
0x46: {  	[sflag:s15] =	ssyncadd.s32 $0xFFFFFEE0  }
0x47: {  	v0 =	vld [tilespmem:$0x6400];
	_ =	sdelay $0x3  }
0x48: {  	v2 =	vld [tilespmem:$0x6880]  }
0x49: {  	v3 =	vld [tilespmem:$0x6A00];
	vm0 =	vgt.s32 v0, $0x0  }
0x4a: {  	v5 =	vld [tilespmem:$0x6580];
	v1 =	vnsel vm0, $0x0, v0  }
0x4b: {  	v6 =	vld [tilespmem:$0x6700]  }
0x4c: {  	v8 =	vld [tilespmem:$0x6B80]  }
0x4d: {  	v9 =	vld [tilespmem:$0x6410]  }
0x4e: {  	v21 =	vld [tilespmem:$0x6D00]  }
0x4f: {  	(erf) = vrcp.f32 v2;
	v4 =	vld.idx.msk [tilespmem:v1+s1+$0x0], $0xffff  }
0x50: {  	(erf) = vrcp.f32 v3;
	v19 =	vld.idx.msk [tilespmem:v1+s16+$0x0], $0xffff  }
0x51: {  	v20 =	vld.idx.msk [tilespmem:v1+s17+$0x0], $0xffff  }
0x52: {  	v7 =	vld.idx.msk [tilespmem:v1+s18+$0x0], $0xffff  }
0x53: {  	v1 =	vld.idx.msk [tilespmem:v1+s19+$0x0], $0xffff;
	_ =	sdelay $0x2  }
0x54: {  	vm6 =	vgt.s32 v0, $0xFFFFFFFF  }
0x55: {  	v28 =	vld [tilespmem:$0x6890];
	vm1 =	vgt.s32 v9, $0x0;
	v4 =	vsub.f32 v4, v5;
	v3 =	vsub.f32 v20, v8  }
0x56: {  	v30 =	vld [tilespmem:$0x6A10];
	v22 =	vpop (erf);
	v2 =	vsub.f32 v19, v6;
	v26 =	vsub.f32 v7, v21;
	v32 =	vnsel vm6, $0x0, v1  }
0x57: {  	v35 =	vld [tilespmem:$0x6590];
	v27 =	vnsel vm1, $0x0, v9;
	v23 =	vpop (erf);
	[tilespmem:$0x7480] =	vst v32;
	v4 =	vmul.f32 v22, v4;
	v29 =	vnsel vm6, $0x0, v3  }
0x58: {  	v36 =	vld [tilespmem:$0x6710];
	v24 =	vmul.f32 v23, v2;
	v31 =	vnsel vm6, $0x0, v26;
	[tilespmem:$0x7180] =	vst v29  }
0x59: {  	v38 =	vld [tilespmem:$0x6B90];
	[tilespmem:$0x7300] =	vst v31;
	v25 =	vnsel vm6, $0x0, v4  }
0x5a: {  	v39 =	vld [tilespmem:$0x6420];
	v0 =	vnsel vm6, $0x0, v24;
	[tilespmem:$0x6E80] =	vst v25  }
0x5b: {  	v40 =	vld [tilespmem:$0x6D10];
	[tilespmem:$0x7000] =	vst v0  }
0x5c: {  	(erf) = vrcp.f32 v28;
	v0 =	vld.idx.msk [tilespmem:v27+s1+$0x0], $0xffff  }
0x5d: {  	(erf) = vrcp.f32 v30;
	v33 =	vld.idx.msk [tilespmem:v27+s16+$0x0], $0xffff  }
0x5e: {  	v34 =	vld.idx.msk [tilespmem:v27+s17+$0x0], $0xffff  }
0x5f: {  	v37 =	vld.idx.msk [tilespmem:v27+s18+$0x0], $0xffff  }
0x60: {  	v4 =	vld.idx.msk [tilespmem:v27+s19+$0x0], $0xffff;
	_ =	sdelay $0x2  }
0x61: {  	vm7 =	vgt.s32 v9, $0xFFFFFFFF  }
0x62: {  	v46 =	vld [tilespmem:$0x68A0];
	vm8 =	vgt.s32 v39, $0x0;
	v0 =	vsub.f32 v0, v35;
	v2 =	vsub.f32 v34, v38  }
0x63: {  	v48 =	vld [tilespmem:$0x6A20];
	v41 =	vpop (erf);
	v1 =	vsub.f32 v33, v36;
	v44 =	vsub.f32 v37, v40;
	v50 =	vnsel vm7, $0x0, v4  }
0x64: {  	v53 =	vld [tilespmem:$0x65A0];
	v45 =	vnsel vm8, $0x0, v39;
	v42 =	vpop (erf);
	[tilespmem:$0x7490] =	vst v50;
	v0 =	vmul.f32 v41, v0;
	v47 =	vnsel vm7, $0x0, v2  }
0x65: {  	v54 =	vld [tilespmem:$0x6720];
	v1 =	vmul.f32 v42, v1;
	v49 =	vnsel vm7, $0x0, v44;
	[tilespmem:$0x7190] =	vst v47  }
0x66: {  	v56 =	vld [tilespmem:$0x6BA0];
	[tilespmem:$0x7310] =	vst v49;
	v0 =	vnsel vm7, $0x0, v0  }
0x67: {  	v57 =	vld [tilespmem:$0x6430];
	v43 =	vnsel vm7, $0x0, v1;
	[tilespmem:$0x6E90] =	vst v0  }
0x68: {  	v58 =	vld [tilespmem:$0x6D20];
	[tilespmem:$0x7010] =	vst v43  }
0x69: {  	(erf) = vrcp.f32 v46;
	v0 =	vld.idx.msk [tilespmem:v45+s1+$0x0], $0xffff  }
0x6a: {  	(erf) = vrcp.f32 v48;
	v51 =	vld.idx.msk [tilespmem:v45+s16+$0x0], $0xffff  }
0x6b: {  	v52 =	vld.idx.msk [tilespmem:v45+s17+$0x0], $0xffff  }
0x6c: {  	v55 =	vld.idx.msk [tilespmem:v45+s18+$0x0], $0xffff  }
0x6d: {  	v3 =	vld.idx.msk [tilespmem:v45+s19+$0x0], $0xffff;
	_ =	sdelay $0x2  }
0x6e: {  	vm9 =	vgt.s32 v39, $0xFFFFFFFF  }
0x6f: {  	v10 =	vld [tilespmem:$0x68B0];
	vm10 =	vgt.s32 v57, $0x0;
	v0 =	vsub.f32 v0, v53;
	v2 =	vsub.f32 v52, v56  }
0x70: {  	v12 =	vld [tilespmem:$0x6A30];
	v59 =	vpop (erf);
	v1 =	vsub.f32 v51, v54;
	v62 =	vsub.f32 v55, v58;
	v14 =	vnsel vm9, $0x0, v3  }
0x71: {  	v17 =	vld [tilespmem:$0x65B0];
	v63 =	vnsel vm10, $0x0, v57;
	v60 =	vpop (erf);
	[tilespmem:$0x74A0] =	vst v14;
	v0 =	vmul.f32 v59, v0;
	v11 =	vnsel vm9, $0x0, v2  }
0x72: {  	v18 =	vld [tilespmem:$0x6730];
	v1 =	vmul.f32 v60, v1;
	v13 =	vnsel vm9, $0x0, v62;
	[tilespmem:$0x71A0] =	vst v11  }
0x73: {  	v20 =	vld [tilespmem:$0x6BB0];
	[tilespmem:$0x7320] =	vst v13;
	v0 =	vnsel vm9, $0x0, v0  }
0x74: {  	v21 =	vld [tilespmem:$0x6440];
	v61 =	vnsel vm9, $0x0, v1;
	[tilespmem:$0x6EA0] =	vst v0  }
0x75: {  	v22 =	vld [tilespmem:$0x6D30];
	[tilespmem:$0x7020] =	vst v61  }
0x76: {  	(erf) = vrcp.f32 v10;
	v0 =	vld.idx.msk [tilespmem:v63+s1+$0x0], $0xffff  }
0x77: {  	(erf) = vrcp.f32 v12;
	v15 =	vld.idx.msk [tilespmem:v63+s16+$0x0], $0xffff  }
0x78: {  	v16 =	vld.idx.msk [tilespmem:v63+s17+$0x0], $0xffff  }
0x79: {  	v19 =	vld.idx.msk [tilespmem:v63+s18+$0x0], $0xffff  }
0x7a: {  	v4 =	vld.idx.msk [tilespmem:v63+s19+$0x0], $0xffff;
	_ =	sdelay $0x2  }
0x7b: {  	vm11 =	vgt.s32 v57, $0xFFFFFFFF  }
0x7c: {  	v39 =	vld [tilespmem:$0x6450];
	vm12 =	vgt.s32 v21, $0x0;
	v0 =	vsub.f32 v0, v17;
	v2 =	vsub.f32 v16, v20  }
0x7d: {  	v28 =	vld [tilespmem:$0x68C0];
	v23 =	vpop (erf);
	v1 =	vsub.f32 v15, v18;
	v26 =	vsub.f32 v19, v22;
	v32 =	vnsel vm11, $0x0, v4  }
0x7e: {  	v30 =	vld [tilespmem:$0x6A40];
	v27 =	vnsel vm12, $0x0, v21;
	v24 =	vpop (erf);
	[tilespmem:$0x74B0] =	vst v32;
	v0 =	vmul.f32 v23, v0;
	v29 =	vnsel vm11, $0x0, v2  }
0x7f: {  	v35 =	vld [tilespmem:$0x65C0];
	v1 =	vmul.f32 v24, v1;
	v31 =	vnsel vm11, $0x0, v26;
	[tilespmem:$0x71B0] =	vst v29  }
0x80: {  	v36 =	vld [tilespmem:$0x6740];
	[tilespmem:$0x7330] =	vst v31;
	v0 =	vnsel vm11, $0x0, v0  }
0x81: {  	v38 =	vld [tilespmem:$0x6BC0];
	v25 =	vnsel vm11, $0x0, v1;
	[tilespmem:$0x6EB0] =	vst v0  }
0x82: {  	v40 =	vld [tilespmem:$0x6D40];
	[tilespmem:$0x7030] =	vst v25  }
0x83: {  	(erf) = vrcp.f32 v28;
	v0 =	vld.idx.msk [tilespmem:v27+s1+$0x0], $0xffff  }
0x84: {  	(erf) = vrcp.f32 v30;
	v33 =	vld.idx.msk [tilespmem:v27+s16+$0x0], $0xffff  }
0x85: {  	v34 =	vld.idx.msk [tilespmem:v27+s17+$0x0], $0xffff  }
0x86: {  	v37 =	vld.idx.msk [tilespmem:v27+s18+$0x0], $0xffff  }
0x87: {  	v3 =	vld.idx.msk [tilespmem:v27+s19+$0x0], $0xffff;
	_ =	sdelay $0x2  }
0x88: {  	vm14 =	vgt.s32 v39, $0x0  }
0x89: {  	v57 =	vld [tilespmem:$0x6460];
	vm13 =	vgt.s32 v21, $0xFFFFFFFF;
	v0 =	vsub.f32 v0, v35;
	v2 =	vsub.f32 v34, v38  }
0x8a: {  	v46 =	vld [tilespmem:$0x68D0];
	v41 =	vpop (erf);
	v1 =	vsub.f32 v33, v36;
	v44 =	vsub.f32 v37, v40;
	v50 =	vnsel vm13, $0x0, v3  }
0x8b: {  	v48 =	vld [tilespmem:$0x6A50];
	v45 =	vnsel vm14, $0x0, v39;
	v42 =	vpop (erf);
	[tilespmem:$0x74C0] =	vst v50;
	v0 =	vmul.f32 v41, v0;
	v47 =	vnsel vm13, $0x0, v2  }
0x8c: {  	v53 =	vld [tilespmem:$0x65D0];
	v1 =	vmul.f32 v42, v1;
	v49 =	vnsel vm13, $0x0, v44;
	[tilespmem:$0x71C0] =	vst v47  }
0x8d: {  	v54 =	vld [tilespmem:$0x6750];
	[tilespmem:$0x7340] =	vst v49;
	v0 =	vnsel vm13, $0x0, v0  }
0x8e: {  	v56 =	vld [tilespmem:$0x6BD0];
	v43 =	vnsel vm13, $0x0, v1;
	[tilespmem:$0x6EC0] =	vst v0  }
0x8f: {  	v58 =	vld [tilespmem:$0x6D50];
	[tilespmem:$0x7040] =	vst v43  }
0x90: {  	(erf) = vrcp.f32 v46;
	v0 =	vld.idx.msk [tilespmem:v45+s1+$0x0], $0xffff  }
0x91: {  	(erf) = vrcp.f32 v48;
	v51 =	vld.idx.msk [tilespmem:v45+s16+$0x0], $0xffff  }
0x92: {  	v52 =	vld.idx.msk [tilespmem:v45+s17+$0x0], $0xffff  }
0x93: {  	v55 =	vld.idx.msk [tilespmem:v45+s18+$0x0], $0xffff  }
0x94: {  	v4 =	vld.idx.msk [tilespmem:v45+s19+$0x0], $0xffff;
	_ =	sdelay $0x2  }
0x95: {  	vm15 =	vgt.s32 v39, $0xFFFFFFFF  }
0x96: {  	vm4 =	vgt.s32 v57, $0x0;
	v21 =	vld [tilespmem:$0x6470];
	v0 =	vsub.f32 v0, v53;
	v2 =	vsub.f32 v52, v56  }
0x97: {  	v10 =	vld [tilespmem:$0x68E0];
	v59 =	vpop (erf);
	v1 =	vsub.f32 v51, v54;
	v62 =	vsub.f32 v55, v58;
	v14 =	vnsel vm15, $0x0, v4  }
0x98: {  	v12 =	vld [tilespmem:$0x6A60];
	v63 =	vnsel vm4, $0x0, v57;
	v60 =	vpop (erf);
	[tilespmem:$0x74D0] =	vst v14;
	v0 =	vmul.f32 v59, v0;
	v11 =	vnsel vm15, $0x0, v2  }
0x99: {  	v17 =	vld [tilespmem:$0x65E0];
	v1 =	vmul.f32 v60, v1;
	v13 =	vnsel vm15, $0x0, v62;
	[tilespmem:$0x71D0] =	vst v11  }
0x9a: {  	v18 =	vld [tilespmem:$0x6760];
	[tilespmem:$0x7350] =	vst v13;
	v0 =	vnsel vm15, $0x0, v0  }
0x9b: {  	v20 =	vld [tilespmem:$0x6BE0];
	v61 =	vnsel vm15, $0x0, v1;
	[tilespmem:$0x6ED0] =	vst v0  }
0x9c: {  	v22 =	vld [tilespmem:$0x6D60];
	[tilespmem:$0x7050] =	vst v61  }
0x9d: {  	(erf) = vrcp.f32 v10;
	v0 =	vld.idx.msk [tilespmem:v63+s1+$0x0], $0xffff  }
0x9e: {  	(erf) = vrcp.f32 v12;
	v15 =	vld.idx.msk [tilespmem:v63+s16+$0x0], $0xffff  }
0x9f: {  	v16 =	vld.idx.msk [tilespmem:v63+s17+$0x0], $0xffff  }
0xa0: {  	v19 =	vld.idx.msk [tilespmem:v63+s18+$0x0], $0xffff  }
0xa1: {  	v3 =	vld.idx.msk [tilespmem:v63+s19+$0x0], $0xffff;
	_ =	sdelay $0x2  }
0xa2: {  	vm5 =	vgt.s32 v57, $0xFFFFFFFF  }
0xa3: {  	vm6 =	vgt.s32 v21, $0x0;
	v39 =	vld [tilespmem:$0x6480];
	v0 =	vsub.f32 v0, v17;
	v2 =	vsub.f32 v16, v20  }
0xa4: {  	v28 =	vld [tilespmem:$0x68F0];
	v23 =	vpop (erf);
	v1 =	vsub.f32 v15, v18;
	v26 =	vsub.f32 v19, v22;
	v32 =	vnsel vm5, $0x0, v3  }
0xa5: {  	v30 =	vld [tilespmem:$0x6A70];
	v27 =	vnsel vm6, $0x0, v21;
	v24 =	vpop (erf);
	[tilespmem:$0x74E0] =	vst v32;
	v0 =	vmul.f32 v23, v0;
	v29 =	vnsel vm5, $0x0, v2  }
0xa6: {  	v35 =	vld [tilespmem:$0x65F0];
	v1 =	vmul.f32 v24, v1;
	v31 =	vnsel vm5, $0x0, v26;
	[tilespmem:$0x71E0] =	vst v29  }
0xa7: {  	v36 =	vld [tilespmem:$0x6770];
	[tilespmem:$0x7360] =	vst v31;
	v0 =	vnsel vm5, $0x0, v0  }
0xa8: {  	v38 =	vld [tilespmem:$0x6BF0];
	v25 =	vnsel vm5, $0x0, v1;
	[tilespmem:$0x6EE0] =	vst v0  }
0xa9: {  	v40 =	vld [tilespmem:$0x6D70];
	[tilespmem:$0x7060] =	vst v25  }
0xaa: {  	(erf) = vrcp.f32 v28;
	v0 =	vld.idx.msk [tilespmem:v27+s1+$0x0], $0xffff  }
0xab: {  	(erf) = vrcp.f32 v30;
	v33 =	vld.idx.msk [tilespmem:v27+s16+$0x0], $0xffff  }
0xac: {  	v34 =	vld.idx.msk [tilespmem:v27+s17+$0x0], $0xffff  }
0xad: {  	v37 =	vld.idx.msk [tilespmem:v27+s18+$0x0], $0xffff  }
0xae: {  	v4 =	vld.idx.msk [tilespmem:v27+s19+$0x0], $0xffff;
	_ =	sdelay $0x2  }
0xaf: {  	vm7 =	vgt.s32 v21, $0xFFFFFFFF  }
0xb0: {  	vm8 =	vgt.s32 v39, $0x0;
	v57 =	vld [tilespmem:$0x6490];
	v0 =	vsub.f32 v0, v35;
	v2 =	vsub.f32 v34, v38  }
0xb1: {  	v46 =	vld [tilespmem:$0x6900];
	v41 =	vpop (erf);
	v1 =	vsub.f32 v33, v36;
	v44 =	vsub.f32 v37, v40;
	v50 =	vnsel vm7, $0x0, v4  }
0xb2: {  	v48 =	vld [tilespmem:$0x6A80];
	v45 =	vnsel vm8, $0x0, v39;
	v42 =	vpop (erf);
	[tilespmem:$0x74F0] =	vst v50;
	v0 =	vmul.f32 v41, v0;
	v47 =	vnsel vm7, $0x0, v2  }
0xb3: {  	v53 =	vld [tilespmem:$0x6600];
	v1 =	vmul.f32 v42, v1;
	v49 =	vnsel vm7, $0x0, v44;
	[tilespmem:$0x71F0] =	vst v47  }
0xb4: {  	v54 =	vld [tilespmem:$0x6780];
	[tilespmem:$0x7370] =	vst v49;
	v0 =	vnsel vm7, $0x0, v0  }
0xb5: {  	v56 =	vld [tilespmem:$0x6C00];
	v43 =	vnsel vm7, $0x0, v1;
	[tilespmem:$0x6EF0] =	vst v0  }
0xb6: {  	v58 =	vld [tilespmem:$0x6D80];
	[tilespmem:$0x7070] =	vst v43  }
0xb7: {  	(erf) = vrcp.f32 v46;
	v0 =	vld.idx.msk [tilespmem:v45+s1+$0x0], $0xffff  }
0xb8: {  	(erf) = vrcp.f32 v48;
	v51 =	vld.idx.msk [tilespmem:v45+s16+$0x0], $0xffff  }
0xb9: {  	v52 =	vld.idx.msk [tilespmem:v45+s17+$0x0], $0xffff  }
0xba: {  	v55 =	vld.idx.msk [tilespmem:v45+s18+$0x0], $0xffff  }
0xbb: {  	v3 =	vld.idx.msk [tilespmem:v45+s19+$0x0], $0xffff;
	_ =	sdelay $0x2  }
0xbc: {  	vm9 =	vgt.s32 v39, $0xFFFFFFFF  }
0xbd: {  	vm10 =	vgt.s32 v57, $0x0;
	v21 =	vld [tilespmem:$0x64A0];
	v0 =	vsub.f32 v0, v53;
	v2 =	vsub.f32 v52, v56  }
0xbe: {  	v10 =	vld [tilespmem:$0x6910];
	v59 =	vpop (erf);
	v1 =	vsub.f32 v51, v54;
	v62 =	vsub.f32 v55, v58;
	v14 =	vnsel vm9, $0x0, v3  }
0xbf: {  	v12 =	vld [tilespmem:$0x6A90];
	v63 =	vnsel vm10, $0x0, v57;
	v60 =	vpop (erf);
	[tilespmem:$0x7500] =	vst v14;
	v0 =	vmul.f32 v59, v0;
	v11 =	vnsel vm9, $0x0, v2  }
0xc0: {  	v17 =	vld [tilespmem:$0x6610];
	v1 =	vmul.f32 v60, v1;
	v13 =	vnsel vm9, $0x0, v62;
	[tilespmem:$0x7200] =	vst v11  }
0xc1: {  	v18 =	vld [tilespmem:$0x6790];
	[tilespmem:$0x7380] =	vst v13;
	v0 =	vnsel vm9, $0x0, v0  }
0xc2: {  	v20 =	vld [tilespmem:$0x6C10];
	v61 =	vnsel vm9, $0x0, v1;
	[tilespmem:$0x6F00] =	vst v0  }
0xc3: {  	v22 =	vld [tilespmem:$0x6D90];
	[tilespmem:$0x7080] =	vst v61  }
0xc4: {  	(erf) = vrcp.f32 v10;
	v0 =	vld.idx.msk [tilespmem:v63+s1+$0x0], $0xffff  }
0xc5: {  	(erf) = vrcp.f32 v12;
	v15 =	vld.idx.msk [tilespmem:v63+s16+$0x0], $0xffff  }
0xc6: {  	v16 =	vld.idx.msk [tilespmem:v63+s17+$0x0], $0xffff  }
0xc7: {  	v19 =	vld.idx.msk [tilespmem:v63+s18+$0x0], $0xffff  }
0xc8: {  	v4 =	vld.idx.msk [tilespmem:v63+s19+$0x0], $0xffff;
	_ =	sdelay $0x2  }
0xc9: {  	vm11 =	vgt.s32 v57, $0xFFFFFFFF  }
0xca: {  	vm12 =	vgt.s32 v21, $0x0;
	v39 =	vld [tilespmem:$0x64B0];
	v0 =	vsub.f32 v0, v17;
	v2 =	vsub.f32 v16, v20  }
0xcb: {  	v28 =	vld [tilespmem:$0x6920];
	v23 =	vpop (erf);
	v1 =	vsub.f32 v15, v18;
	v26 =	vsub.f32 v19, v22;
	v32 =	vnsel vm11, $0x0, v4  }
0xcc: {  	v30 =	vld [tilespmem:$0x6AA0];
	v27 =	vnsel vm12, $0x0, v21;
	v24 =	vpop (erf);
	[tilespmem:$0x7510] =	vst v32;
	v0 =	vmul.f32 v23, v0;
	v29 =	vnsel vm11, $0x0, v2  }
0xcd: {  	v35 =	vld [tilespmem:$0x6620];
	v1 =	vmul.f32 v24, v1;
	v31 =	vnsel vm11, $0x0, v26;
	[tilespmem:$0x7210] =	vst v29  }
0xce: {  	v36 =	vld [tilespmem:$0x67A0];
	[tilespmem:$0x7390] =	vst v31;
	v0 =	vnsel vm11, $0x0, v0  }
0xcf: {  	v38 =	vld [tilespmem:$0x6C20];
	v25 =	vnsel vm11, $0x0, v1;
	[tilespmem:$0x6F10] =	vst v0  }
0xd0: {  	v40 =	vld [tilespmem:$0x6DA0];
	[tilespmem:$0x7090] =	vst v25  }
0xd1: {  	(erf) = vrcp.f32 v28;
	v0 =	vld.idx.msk [tilespmem:v27+s1+$0x0], $0xffff  }
0xd2: {  	(erf) = vrcp.f32 v30;
	v33 =	vld.idx.msk [tilespmem:v27+s16+$0x0], $0xffff  }
0xd3: {  	v34 =	vld.idx.msk [tilespmem:v27+s17+$0x0], $0xffff  }
0xd4: {  	v37 =	vld.idx.msk [tilespmem:v27+s18+$0x0], $0xffff  }
0xd5: {  	v3 =	vld.idx.msk [tilespmem:v27+s19+$0x0], $0xffff;
	_ =	sdelay $0x2  }
0xd6: {  	vm13 =	vgt.s32 v21, $0xFFFFFFFF  }
0xd7: {  	vm14 =	vgt.s32 v39, $0x0;
	v46 =	vld [tilespmem:$0x6930];
	v0 =	vsub.f32 v0, v35;
	v2 =	vsub.f32 v34, v38  }
0xd8: {  	v57 =	vld [tilespmem:$0x64C0];
	v41 =	vpop (erf);
	v1 =	vsub.f32 v33, v36;
	v44 =	vsub.f32 v37, v40;
	v50 =	vnsel vm13, $0x0, v3  }
0xd9: {  	v48 =	vld [tilespmem:$0x6AB0];
	v45 =	vnsel vm14, $0x0, v39;
	v42 =	vpop (erf);
	[tilespmem:$0x7520] =	vst v50;
	v0 =	vmul.f32 v41, v0;
	v47 =	vnsel vm13, $0x0, v2  }
0xda: {  	v53 =	vld [tilespmem:$0x6630];
	v1 =	vmul.f32 v42, v1;
	v49 =	vnsel vm13, $0x0, v44;
	[tilespmem:$0x7220] =	vst v47  }
0xdb: {  	v54 =	vld [tilespmem:$0x67B0];
	[tilespmem:$0x73A0] =	vst v49;
	v0 =	vnsel vm13, $0x0, v0  }
0xdc: {  	v56 =	vld [tilespmem:$0x6C30];
	v43 =	vnsel vm13, $0x0, v1;
	[tilespmem:$0x6F20] =	vst v0  }
0xdd: {  	v58 =	vld [tilespmem:$0x6DB0];
	[tilespmem:$0x70A0] =	vst v43  }
0xde: {  	(erf) = vrcp.f32 v46;
	v0 =	vld.idx.msk [tilespmem:v45+s1+$0x0], $0xffff  }
0xdf: {  	(erf) = vrcp.f32 v48;
	v51 =	vld.idx.msk [tilespmem:v45+s16+$0x0], $0xffff  }
0xe0: {  	v52 =	vld.idx.msk [tilespmem:v45+s17+$0x0], $0xffff  }
0xe1: {  	v55 =	vld.idx.msk [tilespmem:v45+s18+$0x0], $0xffff  }
0xe2: {  	v4 =	vld.idx.msk [tilespmem:v45+s19+$0x0], $0xffff;
	_ =	sdelay $0x2  }
0xe3: {  	vm15 =	vgt.s32 v39, $0xFFFFFFFF  }
0xe4: {  	v9 =	vld [tilespmem:$0x6940];
	vm4 =	vgt.s32 v57, $0x0;
	v0 =	vsub.f32 v0, v53;
	v2 =	vsub.f32 v52, v56  }
0xe5: {  	v21 =	vld [tilespmem:$0x6DC0];
	v59 =	vpop (erf);
	v1 =	vsub.f32 v51, v54;
	v62 =	vsub.f32 v55, v58;
	v13 =	vnsel vm15, $0x0, v4  }
0xe6: {  	v11 =	vld [tilespmem:$0x6AC0];
	v63 =	vnsel vm4, $0x0, v57;
	v60 =	vpop (erf);
	[tilespmem:$0x7530] =	vst v13;
	v0 =	vmul.f32 v59, v0;
	v10 =	vnsel vm15, $0x0, v2  }
0xe7: {  	v16 =	vld [tilespmem:$0x6640];
	v1 =	vmul.f32 v60, v1;
	v12 =	vnsel vm15, $0x0, v62;
	[tilespmem:$0x7230] =	vst v10  }
0xe8: {  	v17 =	vld [tilespmem:$0x67C0];
	[tilespmem:$0x73B0] =	vst v12;
	v0 =	vnsel vm15, $0x0, v0  }
0xe9: {  	v19 =	vld [tilespmem:$0x6C40];
	v61 =	vnsel vm15, $0x0, v1;
	[tilespmem:$0x6F30] =	vst v0  }
0xea: {  	v20 =	vld [tilespmem:$0x64D0];
	[tilespmem:$0x70B0] =	vst v61  }
0xeb: {  	(erf) = vrcp.f32 v9;
	v0 =	vld.idx.msk [tilespmem:v63+s1+$0x0], $0xffff  }
0xec: {  	(erf) = vrcp.f32 v11;
	v14 =	vld.idx.msk [tilespmem:v63+s16+$0x0], $0xffff  }
0xed: {  	v15 =	vld.idx.msk [tilespmem:v63+s17+$0x0], $0xffff  }
0xee: {  	v18 =	vld.idx.msk [tilespmem:v63+s18+$0x0], $0xffff  }
0xef: {  	v3 =	vld.idx.msk [tilespmem:v63+s19+$0x0], $0xffff;
	_ =	sdelay $0x2  }
0xf0: {  	vm5 =	vgt.s32 v57, $0xFFFFFFFF  }
0xf1: {  	v39 =	vld [tilespmem:$0x6DD0];
	vm6 =	vgt.s32 v20, $0x0;
	v0 =	vsub.f32 v0, v16;
	v2 =	vsub.f32 v15, v19  }
0xf2: {  	v29 =	vld [tilespmem:$0x6AD0];
	v22 =	vpop (erf);
	v1 =	vsub.f32 v14, v17;
	v25 =	vsub.f32 v18, v21;
	v31 =	vnsel vm5, $0x0, v3  }
0xf3: {  	v26 =	vnsel vm6, $0x0, v20;
	v27 =	vld [tilespmem:$0x6950];
	v23 =	vpop (erf);
	[tilespmem:$0x7540] =	vst v31;
	v0 =	vmul.f32 v22, v0;
	v28 =	vnsel vm5, $0x0, v2  }
0xf4: {  	v34 =	vld [tilespmem:$0x6650];
	v1 =	vmul.f32 v23, v1;
	v30 =	vnsel vm5, $0x0, v25;
	[tilespmem:$0x7240] =	vst v28  }
0xf5: {  	v35 =	vld [tilespmem:$0x67D0];
	[tilespmem:$0x73C0] =	vst v30;
	v0 =	vnsel vm5, $0x0, v0  }
0xf6: {  	v37 =	vld [tilespmem:$0x6C50];
	v24 =	vnsel vm5, $0x0, v1;
	[tilespmem:$0x6F40] =	vst v0  }
0xf7: {  	v38 =	vld [tilespmem:$0x64E0];
	[tilespmem:$0x70C0] =	vst v24  }
0xf8: {  	(erf) = vrcp.f32 v27;
	v0 =	vld.idx.msk [tilespmem:v26+s1+$0x0], $0xffff  }
0xf9: {  	(erf) = vrcp.f32 v29;
	v32 =	vld.idx.msk [tilespmem:v26+s16+$0x0], $0xffff  }
0xfa: {  	v33 =	vld.idx.msk [tilespmem:v26+s17+$0x0], $0xffff  }
0xfb: {  	v36 =	vld.idx.msk [tilespmem:v26+s18+$0x0], $0xffff  }
0xfc: {  	v4 =	vld.idx.msk [tilespmem:v26+s19+$0x0], $0xffff;
	_ =	sdelay $0x2  }
0xfd: {  	vm7 =	vgt.s32 v20, $0xFFFFFFFF  }
0xfe: {  	v57 =	vld [tilespmem:$0x6DE0];
	vm8 =	vgt.s32 v38, $0x0;
	v0 =	vsub.f32 v0, v34;
	v2 =	vsub.f32 v33, v37  }
0xff: {  	v47 =	vld [tilespmem:$0x6AE0];
	v40 =	vpop (erf);
	v1 =	vsub.f32 v32, v35;
	v43 =	vsub.f32 v36, v39;
	v49 =	vnsel vm7, $0x0, v4  }
0x100: {  	v44 =	vnsel vm8, $0x0, v38;
	v45 =	vld [tilespmem:$0x6960];
	v41 =	vpop (erf);
	[tilespmem:$0x7550] =	vst v49;
	v0 =	vmul.f32 v40, v0;
	v46 =	vnsel vm7, $0x0, v2  }
0x101: {  	v52 =	vld [tilespmem:$0x6660];
	v1 =	vmul.f32 v41, v1;
	v48 =	vnsel vm7, $0x0, v43;
	[tilespmem:$0x7250] =	vst v46  }
0x102: {  	v53 =	vld [tilespmem:$0x67E0];
	[tilespmem:$0x73D0] =	vst v48;
	v0 =	vnsel vm7, $0x0, v0  }
0x103: {  	v55 =	vld [tilespmem:$0x6C60];
	v42 =	vnsel vm7, $0x0, v1;
	[tilespmem:$0x6F50] =	vst v0  }
0x104: {  	v56 =	vld [tilespmem:$0x64F0];
	[tilespmem:$0x70D0] =	vst v42  }
0x105: {  	(erf) = vrcp.f32 v45;
	v0 =	vld.idx.msk [tilespmem:v44+s1+$0x0], $0xffff  }
0x106: {  	(erf) = vrcp.f32 v47;
	v50 =	vld.idx.msk [tilespmem:v44+s16+$0x0], $0xffff  }
0x107: {  	v51 =	vld.idx.msk [tilespmem:v44+s17+$0x0], $0xffff  }
0x108: {  	v54 =	vld.idx.msk [tilespmem:v44+s18+$0x0], $0xffff  }
0x109: {  	v3 =	vld.idx.msk [tilespmem:v44+s19+$0x0], $0xffff;
	_ =	sdelay $0x2  }
0x10a: {  	vm9 =	vgt.s32 v38, $0xFFFFFFFF  }
0x10b: {  	v20 =	vld [tilespmem:$0x6DF0];
	vm10 =	vgt.s32 v56, $0x0;
	v0 =	vsub.f32 v0, v52;
	v2 =	vsub.f32 v51, v55  }
0x10c: {  	v10 =	vld [tilespmem:$0x6AF0];
	v58 =	vpop (erf);
	v1 =	vsub.f32 v50, v53;
	v61 =	vsub.f32 v54, v57;
	v12 =	vnsel vm9, $0x0, v3  }
0x10d: {  	v62 =	vnsel vm10, $0x0, v56;
	v63 =	vld [tilespmem:$0x6970];
	v59 =	vpop (erf);
	[tilespmem:$0x7560] =	vst v12;
	v0 =	vmul.f32 v58, v0;
	v8 =	vnsel vm9, $0x0, v2  }
0x10e: {  	v15 =	vld [tilespmem:$0x6670];
	v1 =	vmul.f32 v59, v1;
	v11 =	vnsel vm9, $0x0, v61;
	[tilespmem:$0x7260] =	vst v8  }
0x10f: {  	v16 =	vld [tilespmem:$0x67F0];
	[tilespmem:$0x73E0] =	vst v11;
	v0 =	vnsel vm9, $0x0, v0  }
0x110: {  	v18 =	vld [tilespmem:$0x6C70];
	v60 =	vnsel vm9, $0x0, v1;
	[tilespmem:$0x6F60] =	vst v0  }
0x111: {  	v19 =	vld [tilespmem:$0x6500];
	[tilespmem:$0x70E0] =	vst v60  }
0x112: {  	(erf) = vrcp.f32 v63;
	v0 =	vld.idx.msk [tilespmem:v62+s1+$0x0], $0xffff  }
0x113: {  	(erf) = vrcp.f32 v10;
	v13 =	vld.idx.msk [tilespmem:v62+s16+$0x0], $0xffff  }
0x114: {  	v14 =	vld.idx.msk [tilespmem:v62+s17+$0x0], $0xffff  }
0x115: {  	v17 =	vld.idx.msk [tilespmem:v62+s18+$0x0], $0xffff  }
0x116: {  	v4 =	vld.idx.msk [tilespmem:v62+s19+$0x0], $0xffff;
	_ =	sdelay $0x2  }
0x117: {  	vm11 =	vgt.s32 v56, $0xFFFFFFFF  }
0x118: {  	v38 =	vld [tilespmem:$0x6E00];
	vm12 =	vgt.s32 v19, $0x0;
	v0 =	vsub.f32 v0, v15;
	v2 =	vsub.f32 v14, v18  }
0x119: {  	v28 =	vld [tilespmem:$0x6B00];
	v21 =	vpop (erf);
	v1 =	vsub.f32 v13, v16;
	v24 =	vsub.f32 v17, v20;
	v30 =	vnsel vm11, $0x0, v4  }
0x11a: {  	v25 =	vnsel vm12, $0x0, v19;
	v26 =	vld [tilespmem:$0x6980];
	v22 =	vpop (erf);
	[tilespmem:$0x7570] =	vst v30;
	v0 =	vmul.f32 v21, v0;
	v27 =	vnsel vm11, $0x0, v2  }
0x11b: {  	v33 =	vld [tilespmem:$0x6680];
	v1 =	vmul.f32 v22, v1;
	v29 =	vnsel vm11, $0x0, v24;
	[tilespmem:$0x7270] =	vst v27  }
0x11c: {  	v34 =	vld [tilespmem:$0x6800];
	[tilespmem:$0x73F0] =	vst v29;
	v0 =	vnsel vm11, $0x0, v0  }
0x11d: {  	v36 =	vld [tilespmem:$0x6C80];
	v23 =	vnsel vm11, $0x0, v1;
	[tilespmem:$0x6F70] =	vst v0  }
0x11e: {  	v37 =	vld [tilespmem:$0x6510];
	[tilespmem:$0x70F0] =	vst v23  }
0x11f: {  	(erf) = vrcp.f32 v26;
	v0 =	vld.idx.msk [tilespmem:v25+s1+$0x0], $0xffff  }
0x120: {  	(erf) = vrcp.f32 v28;
	v31 =	vld.idx.msk [tilespmem:v25+s16+$0x0], $0xffff  }
0x121: {  	v32 =	vld.idx.msk [tilespmem:v25+s17+$0x0], $0xffff  }
0x122: {  	v35 =	vld.idx.msk [tilespmem:v25+s18+$0x0], $0xffff  }
0x123: {  	v3 =	vld.idx.msk [tilespmem:v25+s19+$0x0], $0xffff;
	_ =	sdelay $0x2  }
0x124: {  	vm13 =	vgt.s32 v19, $0xFFFFFFFF  }
0x125: {  	vm14 =	vgt.s32 v37, $0x0;
	v0 =	vsub.f32 v0, v33;
	v2 =	vsub.f32 v32, v36  }
0x126: {  	v45 =	vld [tilespmem:$0x6B10];
	v39 =	vpop (erf);
	v1 =	vsub.f32 v31, v34;
	v44 =	vsub.f32 v35, v38;
	v48 =	vnsel vm13, $0x0, v3  }
0x127: {  	v41 =	vld [tilespmem:$0x6990];
	v42 =	vnsel vm14, $0x0, v37;
	v40 =	vpop (erf);
	[tilespmem:$0x7580] =	vst v48;
	v0 =	vmul.f32 v39, v0;
	v46 =	vnsel vm13, $0x0, v2  }
0x128: {  	v50 =	vld [tilespmem:$0x6690];
	v1 =	vmul.f32 v40, v1;
	v47 =	vnsel vm13, $0x0, v44;
	[tilespmem:$0x7280] =	vst v46  }
0x129: {  	v51 =	vld [tilespmem:$0x6810];
	[tilespmem:$0x7400] =	vst v47;
	v0 =	vnsel vm13, $0x0, v0  }
0x12a: {  	v54 =	vld [tilespmem:$0x6C90];
	v43 =	vnsel vm13, $0x0, v1;
	[tilespmem:$0x6F80] =	vst v0  }
0x12b: {  	v55 =	vld [tilespmem:$0x6E10];
	[tilespmem:$0x7100] =	vst v43  }
0x12c: {  	(erf) = vrcp.f32 v41;
	v0 =	vld.idx.msk [tilespmem:v42+s1+$0x0], $0xffff  }
0x12d: {  	(erf) = vrcp.f32 v45;
	v49 =	vld.idx.msk [tilespmem:v42+s16+$0x0], $0xffff  }
0x12e: {  	v52 =	vld.idx.msk [tilespmem:v42+s17+$0x0], $0xffff  }
0x12f: {  	v53 =	vld.idx.msk [tilespmem:v42+s18+$0x0], $0xffff  }
0x130: {  	v58 =	vld.idx.msk [tilespmem:v42+s19+$0x0], $0xffff;
	_ =	sdelay $0x3  }
0x131: {  	vm15 =	vgt.s32 v37, $0xFFFFFFFF;
	v0 =	vsub.f32 v0, v50;
	v4 =	vsub.f32 v52, v54  }
0x132: {  	v56 =	vpop (erf);
	v1 =	vsub.f32 v49, v51;
	v60 =	vsub.f32 v53, v55;
	v63 =	vnsel vm15, $0x0, v58  }
0x133: {  	v57 =	vpop (erf);
	[tilespmem:$0x7590] =	vst v63;
	v0 =	vmul.f32 v56, v0;
	v61 =	vnsel vm15, $0x0, v4  }
0x134: {  	v1 =	vmul.f32 v57, v1;
	v62 =	vnsel vm15, $0x0, v60;
	[tilespmem:$0x7290] =	vst v61  }
0x135: {  	[tilespmem:$0x7410] =	vst v62;
	v0 =	vnsel vm15, $0x0, v0  }
0x136: {  	v59 =	vnsel vm15, $0x0, v1;
	[tilespmem:$0x6F90] =	vst v0  }
0x137: {  	[tilespmem:$0x7110] =	vst v59  }
0x138: {  	[hbm4b:s9+s1] =	stream.linear.scatter [tilespmem:s28], [sflag:$0x1], $0x120, $0x38;
	[tilespmem:$0x7600] =	vst v63  }
0x139: {  	_ =	swait.ge [sflag:s15], $0x120  }
0x13a: {  	[sflag:s15] =	ssyncset.done $0x0  }
0x13b: {  	[sflag:s15] =	ssyncadd.s32 $0xFFFFFEE0  }
0x13c: {  	[hbm4b:s10+s1] =	stream.linear.scatter [tilespmem:s29], [sflag:$0x1], $0x120, $0x38;
	[tilespmem:$0x7600] =	vst v63  }
0x13d: {  	_ =	swait.ge [sflag:s15], $0x120  }
0x13e: {  	[sflag:s15] =	ssyncset.done $0x0  }
0x13f: {  	[sflag:s15] =	ssyncadd.s32 $0xFFFFFEE0  }
0x140: {  	[hbm4b:s11+s1] =	stream.linear.scatter [tilespmem:s30], [sflag:$0x1], $0x120, $0x38;
	[tilespmem:$0x7600] =	vst v63  }
0x141: {  	_ =	swait.ge [sflag:s15], $0x120  }
0x142: {  	[sflag:s15] =	ssyncset.done $0x0  }
0x143: {  	[sflag:s15] =	ssyncadd.s32 $0xFFFFFEE0  }
0x144: {  	[hbm4b:s12+s1] =	stream.linear.scatter [tilespmem:s31], [sflag:$0x1], $0x120, $0x38;
	[tilespmem:$0x7600] =	vst v63  }
0x145: {  	_ =	swait.ge [sflag:s15], $0x120  }
0x146: {  	p0 =	sne.s32 s14, $0x1;
	[sflag:s15] =	ssyncset.done $0x0  }
.Ltmp0:
0x147: {  	[sflag:s15] =	ssyncadd.s32 $0xFFFFFEE0;
	(pc) =	sbr.rel @p0 .LBB2_1-.Ltmp0, $4  }
0x148: {  	[hbm4b:s13+s1] =	stream.linear.scatter [tilespmem:s0], [sflag:$0x1], $0x120, $0x38;
	[tilespmem:$0x7600] =	vst v63  }
0x149: {  	_ =	swait.ge [sflag:s15], $0x120  }
0x14a: {  	[sflag:s15] =	ssyncset.done $0x0  }
0x14b: {  	s14 =	sadd.s32 $0xFFFFFFFF, s14;
	[sflag:s15] =	ssyncadd.s32 $0xFFFFFEE0  }
0x14c: {  	_ =	sfence.sel $0x180000  }
0x14d: {  	[bflag:$0x0] =	sbarrier.arrive $0xFFFF  }
0x14e: {  	_ =	strace $0x90000047  }
0x14f: {  	s0 =	stileid.u32;
	[bflag:$0x2] =	sbarrier.arrive $0xFFFF  }
0x150: {  	p0 =	sne.s32 s0, $0x0;
	s0 =	rddreg [dreg:$0x4]  }
0x151: {  	s0 =	sadd.s32 @!p0 $0x100000, s0  }
0x152: {  	[sflag:s0] =	ssyncadd.tile.s32 @!p0 $0x1;
	_ =	shalt  }
.Lfunc_end2:
_tile_overlayer_lowered:
.L_overlay_start_2:
0x153: {  	(tag) =	ssettag $0x2  }
0x154: {  	s0 =	rddreg [dreg:$0x0];
	s2 =	stileid.u32  }
0x155: {  	s1 =	rddreg [dreg:$0x1];
	p0 =	sne.s32 s2, $0x0  }
0x156: {  	s3 =	rddreg [dreg:$0x2];
	[bflag:$0x3] =	sbarrier.arrive $0xFFFF;
	s2 =	simm.s32 @!p0 $0x1C01  }
0x157: {  	[timem:s3], [sflag:s2] =	dma.local @!p0 [hbm:s0], s1  }
0x158: {  	s0 =	simm.s32 @!p0 $0x1  }
0x159: {  	_ =	swait.ge @!p0 [sflag:s0], s1  }
0x15a: {  	s1 =	ssub.s32 @!p0 $0x0, s1;
	[sflag:s0] =	ssyncset.done @!p0 $0x0  }
0x15b: {  	[sflag:s0] =	ssyncadd.s32 @!p0 s1  }
0x15c: {  	[bflag:$0x3] =	sbarrier.arrive $0xFFFF  }
0x15d: {  	_ =	shalt  }

</sc_bundles>
